<compile_context>
chip_gen: v7x
topology: tpu7x:2x2x1
jax: 0.10.2.dev20260603
libtpu: 0.0.44.dev20260713+nightly
codegen_flags: <defaults>
</compile_context>

<pallas_src>
import functools

import jax
import jax.numpy as jnp
from jax import lax
from jax.experimental import pallas as pl
from jax.experimental.pallas import tpu as pltpu
from jax.experimental.pallas import tpu_sc as plsc

NUM_ENTITY = 1000000
NUM_RELATION = 1000
EMB_DIM = 64
BATCH = 16384

NC = 2
NS = 16
NW = NC * NS
BPW = BATCH // NW
CHUNK = 128
NCHUNK = BPW // CHUNK

_mesh = plsc.VectorSubcoreMesh(core_axis_name="c", subcore_axis_name="s")


@functools.partial(
    pl.kernel,
    mesh=_mesh,
    compiler_params=pltpu.CompilerParams(use_tc_tiling_on_sc=False),
    out_type=[
        jax.ShapeDtypeStruct((BATCH, EMB_DIM), jnp.float32),
        jax.ShapeDtypeStruct((BATCH, EMB_DIM), jnp.float32),
        jax.ShapeDtypeStruct((BATCH, EMB_DIM), jnp.float32),
    ],
    scratch_types=[
        pltpu.VMEM((BPW,), jnp.int32),
        pltpu.VMEM((BPW,), jnp.int32),
        pltpu.VMEM((BPW,), jnp.int32),
        pltpu.VMEM((BPW, EMB_DIM), jnp.float32),
        pltpu.VMEM((BPW, EMB_DIM), jnp.float32),
        pltpu.VMEM((BPW, EMB_DIM), jnp.float32),
        pltpu.SemaphoreType.DMA,
        pltpu.SemaphoreType.DMA,
        pltpu.SemaphoreType.DMA,
    ],
)
def _transe_lookup(head_hbm, rel_hbm, tail_hbm, ent_hbm, rel_tab_hbm,
                   head_out, rel_out, tail_out,
                   hidx, ridx, tidx, hrows, rrows, trows,
                   sem_h, sem_r, sem_t):
    wid = lax.axis_index("s") * NC + lax.axis_index("c")
    base = wid * BPW
    sl = pl.ds(base, BPW)

    pltpu.sync_copy(head_hbm.at[sl], hidx)
    pltpu.sync_copy(rel_hbm.at[sl], ridx)
    pltpu.sync_copy(tail_hbm.at[sl], tidx)

    hcopies = []
    rcopies = []
    tcopies = []
    for j in range(NCHUNK):
        cs = pl.ds(j * CHUNK, CHUNK)
        hcopies.append(
            pltpu.async_copy(ent_hbm.at[hidx.at[cs]], hrows.at[cs], sem_h))
        rcopies.append(
            pltpu.async_copy(rel_tab_hbm.at[ridx.at[cs]], rrows.at[cs], sem_r))
        tcopies.append(
            pltpu.async_copy(ent_hbm.at[tidx.at[cs]], trows.at[cs], sem_t))

    for c in hcopies:
        c.wait()
    pltpu.sync_copy(hrows, head_out.at[sl])
    for c in rcopies:
        c.wait()
    pltpu.sync_copy(rrows, rel_out.at[sl])
    for c in tcopies:
        c.wait()
    pltpu.sync_copy(trows, tail_out.at[sl])


def kernel(head, relation, tail, entity_table, relation_table):
    head = head.astype(jnp.int32)
    relation = relation.astype(jnp.int32)
    tail = tail.astype(jnp.int32)
    return tuple(_transe_lookup(head, relation, tail,
                                entity_table, relation_table))

# --- scband reference (transcript-rebuilt; emitter-appended) ---
"""Pipeline reference for scband-trans-e-43155831390584 (READ-ONLY COPY).

The authoritative reference and input builder live on the scoring server;
editing this copy changes nothing except your own understanding.
"""

import jax, jax.numpy as jnp
import numpy as np

NUM_ENTITY = 1000000
NUM_RELATION = 1000
EMB_DIM = 64
BATCH = 16384


def setup_inputs(seed: int = 0) -> dict:
    key = jax.random.key(seed)
    k1, k2, k3, k4, k5 = jax.random.split(key, 5)
    head = jax.random.randint(k1, (BATCH,), 0, NUM_ENTITY, dtype=jnp.int64) if jax.config.jax_enable_x64 else jax.random.randint(k1, (BATCH,), 0, NUM_ENTITY, dtype=jnp.int32)
    relation = jax.random.randint(k2, (BATCH,), 0, NUM_RELATION, dtype=jnp.int32)
    tail = jax.random.randint(k3, (BATCH,), 0, NUM_ENTITY, dtype=jnp.int32)
    entity_table = jax.random.normal(k4, (NUM_ENTITY, EMB_DIM), dtype=jnp.float32)
    relation_table = jax.random.normal(k5, (NUM_RELATION, EMB_DIM), dtype=jnp.float32)
    return {
        "head": head,
        "relation": relation,
        "tail": tail,
        "entity_table": entity_table,
        "relation_table": relation_table,
    }


def reference(head, relation, tail, entity_table, relation_table):
    # Faithful translation of TransE.forward: three embedding lookups.
    # head and tail share the entity embedding table; relation uses its own table.
    head_emb = jnp.take(entity_table, head, axis=0)
    relation_emb = jnp.take(relation_table, relation, axis=0)
    tail_emb = jnp.take(entity_table, tail, axis=0)
    return (head_emb, relation_emb, tail_emb)

if __name__ == "__main__":
    import jax
    _d = setup_inputs()
    print(jax.jit(kernel)(*tuple(_d.values())))

</pallas_src>

<mosaic_0001>
#map = affine_map<(d0, d1) -> (0)>
#map1 = affine_map<(d0, d1) -> (0, 0)>
module attributes {stable_mosaic.version = 14 : i64} {
  func.func @_transe_lookup(%arg0: i32, %arg1: i32, %arg2: memref<16384xi32, #tpu.memory_space<hbm>>, %arg3: memref<16384xi32, #tpu.memory_space<hbm>>, %arg4: memref<16384xi32, #tpu.memory_space<hbm>>, %arg5: memref<1000000x64xf32, #tpu.memory_space<hbm>>, %arg6: memref<1000x64xf32, #tpu.memory_space<hbm>>, %arg7: memref<16384x64xf32, #tpu.memory_space<hbm>>, %arg8: memref<16384x64xf32, #tpu.memory_space<hbm>>, %arg9: memref<16384x64xf32, #tpu.memory_space<hbm>>, %arg10: memref<512xi32, #tpu.memory_space<vmem>>, %arg11: memref<512xi32, #tpu.memory_space<vmem>>, %arg12: memref<512xi32, #tpu.memory_space<vmem>>, %arg13: memref<512x64xf32, #tpu.memory_space<vmem>>, %arg14: memref<512x64xf32, #tpu.memory_space<vmem>>, %arg15: memref<512x64xf32, #tpu.memory_space<vmem>>, %arg16: memref<!tpu.dma_semaphore, #tpu.memory_space<semaphore_mem>>, %arg17: memref<!tpu.dma_semaphore, #tpu.memory_space<semaphore_mem>>, %arg18: memref<!tpu.dma_semaphore, #tpu.memory_space<semaphore_mem>>) attributes {dimension_semantics = [#tpu.dimension_semantics<core_parallel>, #tpu.dimension_semantics<subcore_parallel>], iteration_bounds = array<i64: 2, 16>, scalar_prefetch = 0 : i64, scratch_operands = 9 : i64, tpu.core_type = #tpu.core_type<sc_vector_subcore>, window_params = [{transform_indices = #map}, {transform_indices = #map}, {transform_indices = #map}, {transform_indices = #map1}, {transform_indices = #map1}, {transform_indices = #map1}, {transform_indices = #map1}, {transform_indices = #map1}]} {
    %mul3A = arith.constant 2 : i32
    %mul3A_0 = arith.muli %arg1, %mul3A : i32
    %add3A = arith.addi %mul3A_0, %arg0 : i32
    %mul3A_1 = arith.constant 512 : i32
    %mul3A_2 = arith.muli %add3A, %mul3A_1 : i32
    "tpu.region"() ({
      %run_scoped3A = tpu.sem_alloc : memref<!tpu.dma_semaphore, #tpu.memory_space<semaphore_mem>>
      %dma_start3A_193 = tpu.memref_slice %arg2[%mul3A_2] : memref<16384xi32, #tpu.memory_space<hbm>> -> memref<512xi32, #tpu.memory_space<hbm>>
      %dma_start3A_194 = tpu.memref_slice %arg2[%mul3A_2] : memref<16384xi32, #tpu.memory_space<hbm>> -> memref<512xi32, #tpu.memory_space<hbm>>
      tpu.enqueue_dma source(%dma_start3A_194 : memref<512xi32, #tpu.memory_space<hbm>>) target(%arg10 : memref<512xi32, #tpu.memory_space<vmem>>) target_semaphore(%run_scoped3A : memref<!tpu.dma_semaphore, #tpu.memory_space<semaphore_mem>>)
      %dma_wait3A_195 = tpu.memref_slice %arg2[%mul3A_2] : memref<16384xi32, #tpu.memory_space<hbm>> -> memref<512xi32, #tpu.memory_space<hbm>>
      %dma_wait3A_196 = tpu.memref_slice %arg2[%mul3A_2] : memref<16384xi32, #tpu.memory_space<hbm>> -> memref<512xi32, #tpu.memory_space<hbm>>
      tpu.wait_dma2 semaphore(%run_scoped3A : memref<!tpu.dma_semaphore, #tpu.memory_space<semaphore_mem>>) src(%dma_wait3A_196 : memref<512xi32, #tpu.memory_space<hbm>>) dst(%arg10 : memref<512xi32, #tpu.memory_space<vmem>>)
      tpu.yield
    }) : () -> ()
    "tpu.region"() ({
      %run_scoped3A = tpu.sem_alloc : memref<!tpu.dma_semaphore, #tpu.memory_space<semaphore_mem>>
      %dma_start3A_193 = tpu.memref_slice %arg3[%mul3A_2] : memref<16384xi32, #tpu.memory_space<hbm>> -> memref<512xi32, #tpu.memory_space<hbm>>
      %dma_start3A_194 = tpu.memref_slice %arg3[%mul3A_2] : memref<16384xi32, #tpu.memory_space<hbm>> -> memref<512xi32, #tpu.memory_space<hbm>>
      tpu.enqueue_dma source(%dma_start3A_194 : memref<512xi32, #tpu.memory_space<hbm>>) target(%arg11 : memref<512xi32, #tpu.memory_space<vmem>>) target_semaphore(%run_scoped3A : memref<!tpu.dma_semaphore, #tpu.memory_space<semaphore_mem>>)
      %dma_wait3A_195 = tpu.memref_slice %arg3[%mul3A_2] : memref<16384xi32, #tpu.memory_space<hbm>> -> memref<512xi32, #tpu.memory_space<hbm>>
      %dma_wait3A_196 = tpu.memref_slice %arg3[%mul3A_2] : memref<16384xi32, #tpu.memory_space<hbm>> -> memref<512xi32, #tpu.memory_space<hbm>>
      tpu.wait_dma2 semaphore(%run_scoped3A : memref<!tpu.dma_semaphore, #tpu.memory_space<semaphore_mem>>) src(%dma_wait3A_196 : memref<512xi32, #tpu.memory_space<hbm>>) dst(%arg11 : memref<512xi32, #tpu.memory_space<vmem>>)
      tpu.yield
    }) : () -> ()
    "tpu.region"() ({
      %run_scoped3A = tpu.sem_alloc : memref<!tpu.dma_semaphore, #tpu.memory_space<semaphore_mem>>
      %dma_start3A_193 = tpu.memref_slice %arg4[%mul3A_2] : memref<16384xi32, #tpu.memory_space<hbm>> -> memref<512xi32, #tpu.memory_space<hbm>>
      %dma_start3A_194 = tpu.memref_slice %arg4[%mul3A_2] : memref<16384xi32, #tpu.memory_space<hbm>> -> memref<512xi32, #tpu.memory_space<hbm>>
      tpu.enqueue_dma source(%dma_start3A_194 : memref<512xi32, #tpu.memory_space<hbm>>) target(%arg12 : memref<512xi32, #tpu.memory_space<vmem>>) target_semaphore(%run_scoped3A : memref<!tpu.dma_semaphore, #tpu.memory_space<semaphore_mem>>)
      %dma_wait3A_195 = tpu.memref_slice %arg4[%mul3A_2] : memref<16384xi32, #tpu.memory_space<hbm>> -> memref<512xi32, #tpu.memory_space<hbm>>
      %dma_wait3A_196 = tpu.memref_slice %arg4[%mul3A_2] : memref<16384xi32, #tpu.memory_space<hbm>> -> memref<512xi32, #tpu.memory_space<hbm>>
      tpu.wait_dma2 semaphore(%run_scoped3A : memref<!tpu.dma_semaphore, #tpu.memory_space<semaphore_mem>>) src(%dma_wait3A_196 : memref<512xi32, #tpu.memory_space<hbm>>) dst(%arg12 : memref<512xi32, #tpu.memory_space<vmem>>)
      tpu.yield
    }) : () -> ()
    %dma_start3A = arith.constant 0 : i32
    %dma_start3A_3 = arith.constant 0 : i32
    %dma_start3A_4 = tpu.memref_slice %arg13[%dma_start3A, %dma_start3A_3] : memref<512x64xf32, #tpu.memory_space<vmem>> -> memref<128x64xf32, #tpu.memory_space<vmem>>
    %dma_start3A_5 = arith.constant 0 : i32
    %dma_start3A_6 = tpu.memref_slice %arg10[%dma_start3A_5] : memref<512xi32, #tpu.memory_space<vmem>> -> memref<128xi32, #tpu.memory_space<vmem>>
    %dma_start3A_7 = arith.constant 0 : i32
    %dma_start3A_8 = arith.constant 0 : i32
    %dma_start3A_9 = tpu.memref_slice %arg5[%dma_start3A_7, %dma_start3A_8] : memref<1000000x64xf32, #tpu.memory_space<hbm>> -> memref<1000000x64xf32, #tpu.memory_space<hbm>>
    tpu.enqueue_indirect_dma source(%dma_start3A_9 : memref<1000000x64xf32, #tpu.memory_space<hbm>>) target(%dma_start3A_4 : memref<128x64xf32, #tpu.memory_space<vmem>>) offsets(%dma_start3A_6 : memref<128xi32, #tpu.memory_space<vmem>>) semaphore(%arg16 : memref<!tpu.dma_semaphore, #tpu.memory_space<semaphore_mem>>)
    %dma_start3A_10 = arith.constant 0 : i32
    %dma_start3A_11 = arith.constant 0 : i32
    %dma_start3A_12 = tpu.memref_slice %arg14[%dma_start3A_10, %dma_start3A_11] : memref<512x64xf32, #tpu.memory_space<vmem>> -> memref<128x64xf32, #tpu.memory_space<vmem>>
    %dma_start3A_13 = arith.constant 0 : i32
    %dma_start3A_14 = tpu.memref_slice %arg11[%dma_start3A_13] : memref<512xi32, #tpu.memory_space<vmem>> -> memref<128xi32, #tpu.memory_space<vmem>>
    %dma_start3A_15 = arith.constant 0 : i32
    %dma_start3A_16 = arith.constant 0 : i32
    %dma_start3A_17 = tpu.memref_slice %arg6[%dma_start3A_15, %dma_start3A_16] : memref<1000x64xf32, #tpu.memory_space<hbm>> -> memref<1000x64xf32, #tpu.memory_space<hbm>>
    tpu.enqueue_indirect_dma source(%dma_start3A_17 : memref<1000x64xf32, #tpu.memory_space<hbm>>) target(%dma_start3A_12 : memref<128x64xf32, #tpu.memory_space<vmem>>) offsets(%dma_start3A_14 : memref<128xi32, #tpu.memory_space<vmem>>) semaphore(%arg17 : memref<!tpu.dma_semaphore, #tpu.memory_space<semaphore_mem>>)
    %dma_start3A_18 = arith.constant 0 : i32
    %dma_start3A_19 = arith.constant 0 : i32
    %dma_start3A_20 = tpu.memref_slice %arg15[%dma_start3A_18, %dma_start3A_19] : memref<512x64xf32, #tpu.memory_space<vmem>> -> memref<128x64xf32, #tpu.memory_space<vmem>>
    %dma_start3A_21 = arith.constant 0 : i32
    %dma_start3A_22 = tpu.memref_slice %arg12[%dma_start3A_21] : memref<512xi32, #tpu.memory_space<vmem>> -> memref<128xi32, #tpu.memory_space<vmem>>
    %dma_start3A_23 = arith.constant 0 : i32
    %dma_start3A_24 = arith.constant 0 : i32
    %dma_start3A_25 = tpu.memref_slice %arg5[%dma_start3A_23, %dma_start3A_24] : memref<1000000x64xf32, #tpu.memory_space<hbm>> -> memref<1000000x64xf32, #tpu.memory_space<hbm>>
    tpu.enqueue_indirect_dma source(%dma_start3A_25 : memref<1000000x64xf32, #tpu.memory_space<hbm>>) target(%dma_start3A_20 : memref<128x64xf32, #tpu.memory_space<vmem>>) offsets(%dma_start3A_22 : memref<128xi32, #tpu.memory_space<vmem>>) semaphore(%arg18 : memref<!tpu.dma_semaphore, #tpu.memory_space<semaphore_mem>>)
    %dma_start3A_26 = arith.constant 128 : i32
    %dma_start3A_27 = arith.constant 0 : i32
    %dma_start3A_28 = tpu.memref_slice %arg13[%dma_start3A_26, %dma_start3A_27] : memref<512x64xf32, #tpu.memory_space<vmem>> -> memref<128x64xf32, #tpu.memory_space<vmem>>
    %dma_start3A_29 = arith.constant 128 : i32
    %dma_start3A_30 = tpu.memref_slice %arg10[%dma_start3A_29] : memref<512xi32, #tpu.memory_space<vmem>> -> memref<128xi32, #tpu.memory_space<vmem>>
    %dma_start3A_31 = arith.constant 0 : i32
    %dma_start3A_32 = arith.constant 0 : i32
    %dma_start3A_33 = tpu.memref_slice %arg5[%dma_start3A_31, %dma_start3A_32] : memref<1000000x64xf32, #tpu.memory_space<hbm>> -> memref<1000000x64xf32, #tpu.memory_space<hbm>>
    tpu.enqueue_indirect_dma source(%dma_start3A_33 : memref<1000000x64xf32, #tpu.memory_space<hbm>>) target(%dma_start3A_28 : memref<128x64xf32, #tpu.memory_space<vmem>>) offsets(%dma_start3A_30 : memref<128xi32, #tpu.memory_space<vmem>>) semaphore(%arg16 : memref<!tpu.dma_semaphore, #tpu.memory_space<semaphore_mem>>)
    %dma_start3A_34 = arith.constant 128 : i32
    %dma_start3A_35 = arith.constant 0 : i32
    %dma_start3A_36 = tpu.memref_slice %arg14[%dma_start3A_34, %dma_start3A_35] : memref<512x64xf32, #tpu.memory_space<vmem>> -> memref<128x64xf32, #tpu.memory_space<vmem>>
    %dma_start3A_37 = arith.constant 128 : i32
    %dma_start3A_38 = tpu.memref_slice %arg11[%dma_start3A_37] : memref<512xi32, #tpu.memory_space<vmem>> -> memref<128xi32, #tpu.memory_space<vmem>>
    %dma_start3A_39 = arith.constant 0 : i32
    %dma_start3A_40 = arith.constant 0 : i32
    %dma_start3A_41 = tpu.memref_slice %arg6[%dma_start3A_39, %dma_start3A_40] : memref<1000x64xf32, #tpu.memory_space<hbm>> -> memref<1000x64xf32, #tpu.memory_space<hbm>>
    tpu.enqueue_indirect_dma source(%dma_start3A_41 : memref<1000x64xf32, #tpu.memory_space<hbm>>) target(%dma_start3A_36 : memref<128x64xf32, #tpu.memory_space<vmem>>) offsets(%dma_start3A_38 : memref<128xi32, #tpu.memory_space<vmem>>) semaphore(%arg17 : memref<!tpu.dma_semaphore, #tpu.memory_space<semaphore_mem>>)
    %dma_start3A_42 = arith.constant 128 : i32
    %dma_start3A_43 = arith.constant 0 : i32
    %dma_start3A_44 = tpu.memref_slice %arg15[%dma_start3A_42, %dma_start3A_43] : memref<512x64xf32, #tpu.memory_space<vmem>> -> memref<128x64xf32, #tpu.memory_space<vmem>>
    %dma_start3A_45 = arith.constant 128 : i32
    %dma_start3A_46 = tpu.memref_slice %arg12[%dma_start3A_45] : memref<512xi32, #tpu.memory_space<vmem>> -> memref<128xi32, #tpu.memory_space<vmem>>
    %dma_start3A_47 = arith.constant 0 : i32
    %dma_start3A_48 = arith.constant 0 : i32
    %dma_start3A_49 = tpu.memref_slice %arg5[%dma_start3A_47, %dma_start3A_48] : memref<1000000x64xf32, #tpu.memory_space<hbm>> -> memref<1000000x64xf32, #tpu.memory_space<hbm>>
    tpu.enqueue_indirect_dma source(%dma_start3A_49 : memref<1000000x64xf32, #tpu.memory_space<hbm>>) target(%dma_start3A_44 : memref<128x64xf32, #tpu.memory_space<vmem>>) offsets(%dma_start3A_46 : memref<128xi32, #tpu.memory_space<vmem>>) semaphore(%arg18 : memref<!tpu.dma_semaphore, #tpu.memory_space<semaphore_mem>>)
    %dma_start3A_50 = arith.constant 256 : i32
    %dma_start3A_51 = arith.constant 0 : i32
    %dma_start3A_52 = tpu.memref_slice %arg13[%dma_start3A_50, %dma_start3A_51] : memref<512x64xf32, #tpu.memory_space<vmem>> -> memref<128x64xf32, #tpu.memory_space<vmem>>
    %dma_start3A_53 = arith.constant 256 : i32
    %dma_start3A_54 = tpu.memref_slice %arg10[%dma_start3A_53] : memref<512xi32, #tpu.memory_space<vmem>> -> memref<128xi32, #tpu.memory_space<vmem>>
    %dma_start3A_55 = arith.constant 0 : i32
    %dma_start3A_56 = arith.constant 0 : i32
    %dma_start3A_57 = tpu.memref_slice %arg5[%dma_start3A_55, %dma_start3A_56] : memref<1000000x64xf32, #tpu.memory_space<hbm>> -> memref<1000000x64xf32, #tpu.memory_space<hbm>>
    tpu.enqueue_indirect_dma source(%dma_start3A_57 : memref<1000000x64xf32, #tpu.memory_space<hbm>>) target(%dma_start3A_52 : memref<128x64xf32, #tpu.memory_space<vmem>>) offsets(%dma_start3A_54 : memref<128xi32, #tpu.memory_space<vmem>>) semaphore(%arg16 : memref<!tpu.dma_semaphore, #tpu.memory_space<semaphore_mem>>)
    %dma_start3A_58 = arith.constant 256 : i32
    %dma_start3A_59 = arith.constant 0 : i32
    %dma_start3A_60 = tpu.memref_slice %arg14[%dma_start3A_58, %dma_start3A_59] : memref<512x64xf32, #tpu.memory_space<vmem>> -> memref<128x64xf32, #tpu.memory_space<vmem>>
    %dma_start3A_61 = arith.constant 256 : i32
    %dma_start3A_62 = tpu.memref_slice %arg11[%dma_start3A_61] : memref<512xi32, #tpu.memory_space<vmem>> -> memref<128xi32, #tpu.memory_space<vmem>>
    %dma_start3A_63 = arith.constant 0 : i32
    %dma_start3A_64 = arith.constant 0 : i32
    %dma_start3A_65 = tpu.memref_slice %arg6[%dma_start3A_63, %dma_start3A_64] : memref<1000x64xf32, #tpu.memory_space<hbm>> -> memref<1000x64xf32, #tpu.memory_space<hbm>>
    tpu.enqueue_indirect_dma source(%dma_start3A_65 : memref<1000x64xf32, #tpu.memory_space<hbm>>) target(%dma_start3A_60 : memref<128x64xf32, #tpu.memory_space<vmem>>) offsets(%dma_start3A_62 : memref<128xi32, #tpu.memory_space<vmem>>) semaphore(%arg17 : memref<!tpu.dma_semaphore, #tpu.memory_space<semaphore_mem>>)
    %dma_start3A_66 = arith.constant 256 : i32
    %dma_start3A_67 = arith.constant 0 : i32
    %dma_start3A_68 = tpu.memref_slice %arg15[%dma_start3A_66, %dma_start3A_67] : memref<512x64xf32, #tpu.memory_space<vmem>> -> memref<128x64xf32, #tpu.memory_space<vmem>>
    %dma_start3A_69 = arith.constant 256 : i32
    %dma_start3A_70 = tpu.memref_slice %arg12[%dma_start3A_69] : memref<512xi32, #tpu.memory_space<vmem>> -> memref<128xi32, #tpu.memory_space<vmem>>
    %dma_start3A_71 = arith.constant 0 : i32
    %dma_start3A_72 = arith.constant 0 : i32
    %dma_start3A_73 = tpu.memref_slice %arg5[%dma_start3A_71, %dma_start3A_72] : memref<1000000x64xf32, #tpu.memory_space<hbm>> -> memref<1000000x64xf32, #tpu.memory_space<hbm>>
    tpu.enqueue_indirect_dma source(%dma_start3A_73 : memref<1000000x64xf32, #tpu.memory_space<hbm>>) target(%dma_start3A_68 : memref<128x64xf32, #tpu.memory_space<vmem>>) offsets(%dma_start3A_70 : memref<128xi32, #tpu.memory_space<vmem>>) semaphore(%arg18 : memref<!tpu.dma_semaphore, #tpu.memory_space<semaphore_mem>>)
    %dma_start3A_74 = arith.constant 384 : i32
    %dma_start3A_75 = arith.constant 0 : i32
    %dma_start3A_76 = tpu.memref_slice %arg13[%dma_start3A_74, %dma_start3A_75] : memref<512x64xf32, #tpu.memory_space<vmem>> -> memref<128x64xf32, #tpu.memory_space<vmem>>
    %dma_start3A_77 = arith.constant 384 : i32
    %dma_start3A_78 = tpu.memref_slice %arg10[%dma_start3A_77] : memref<512xi32, #tpu.memory_space<vmem>> -> memref<128xi32, #tpu.memory_space<vmem>>
    %dma_start3A_79 = arith.constant 0 : i32
    %dma_start3A_80 = arith.constant 0 : i32
    %dma_start3A_81 = tpu.memref_slice %arg5[%dma_start3A_79, %dma_start3A_80] : memref<1000000x64xf32, #tpu.memory_space<hbm>> -> memref<1000000x64xf32, #tpu.memory_space<hbm>>
    tpu.enqueue_indirect_dma source(%dma_start3A_81 : memref<1000000x64xf32, #tpu.memory_space<hbm>>) target(%dma_start3A_76 : memref<128x64xf32, #tpu.memory_space<vmem>>) offsets(%dma_start3A_78 : memref<128xi32, #tpu.memory_space<vmem>>) semaphore(%arg16 : memref<!tpu.dma_semaphore, #tpu.memory_space<semaphore_mem>>)
    %dma_start3A_82 = arith.constant 384 : i32
    %dma_start3A_83 = arith.constant 0 : i32
    %dma_start3A_84 = tpu.memref_slice %arg14[%dma_start3A_82, %dma_start3A_83] : memref<512x64xf32, #tpu.memory_space<vmem>> -> memref<128x64xf32, #tpu.memory_space<vmem>>
    %dma_start3A_85 = arith.constant 384 : i32
    %dma_start3A_86 = tpu.memref_slice %arg11[%dma_start3A_85] : memref<512xi32, #tpu.memory_space<vmem>> -> memref<128xi32, #tpu.memory_space<vmem>>
    %dma_start3A_87 = arith.constant 0 : i32
    %dma_start3A_88 = arith.constant 0 : i32
    %dma_start3A_89 = tpu.memref_slice %arg6[%dma_start3A_87, %dma_start3A_88] : memref<1000x64xf32, #tpu.memory_space<hbm>> -> memref<1000x64xf32, #tpu.memory_space<hbm>>
    tpu.enqueue_indirect_dma source(%dma_start3A_89 : memref<1000x64xf32, #tpu.memory_space<hbm>>) target(%dma_start3A_84 : memref<128x64xf32, #tpu.memory_space<vmem>>) offsets(%dma_start3A_86 : memref<128xi32, #tpu.memory_space<vmem>>) semaphore(%arg17 : memref<!tpu.dma_semaphore, #tpu.memory_space<semaphore_mem>>)
    %dma_start3A_90 = arith.constant 384 : i32
    %dma_start3A_91 = arith.constant 0 : i32
    %dma_start3A_92 = tpu.memref_slice %arg15[%dma_start3A_90, %dma_start3A_91] : memref<512x64xf32, #tpu.memory_space<vmem>> -> memref<128x64xf32, #tpu.memory_space<vmem>>
    %dma_start3A_93 = arith.constant 384 : i32
    %dma_start3A_94 = tpu.memref_slice %arg12[%dma_start3A_93] : memref<512xi32, #tpu.memory_space<vmem>> -> memref<128xi32, #tpu.memory_space<vmem>>
    %dma_start3A_95 = arith.constant 0 : i32
    %dma_start3A_96 = arith.constant 0 : i32
    %dma_start3A_97 = tpu.memref_slice %arg5[%dma_start3A_95, %dma_start3A_96] : memref<1000000x64xf32, #tpu.memory_space<hbm>> -> memref<1000000x64xf32, #tpu.memory_space<hbm>>
    tpu.enqueue_indirect_dma source(%dma_start3A_97 : memref<1000000x64xf32, #tpu.memory_space<hbm>>) target(%dma_start3A_92 : memref<128x64xf32, #tpu.memory_space<vmem>>) offsets(%dma_start3A_94 : memref<128xi32, #tpu.memory_space<vmem>>) semaphore(%arg18 : memref<!tpu.dma_semaphore, #tpu.memory_space<semaphore_mem>>)
    %dma_wait3A = arith.constant 0 : i32
    %dma_wait3A_98 = arith.constant 0 : i32
    %dma_wait3A_99 = tpu.memref_slice %arg13[%dma_wait3A, %dma_wait3A_98] : memref<512x64xf32, #tpu.memory_space<vmem>> -> memref<128x64xf32, #tpu.memory_space<vmem>>
    %dma_wait3A_100 = arith.constant 0 : i32
    %dma_wait3A_101 = tpu.memref_slice %arg10[%dma_wait3A_100] : memref<512xi32, #tpu.memory_space<vmem>> -> memref<128xi32, #tpu.memory_space<vmem>>
    %dma_wait3A_102 = arith.constant 0 : i32
    %dma_wait3A_103 = arith.constant 0 : i32
    %dma_wait3A_104 = tpu.memref_slice %arg5[%dma_wait3A_102, %dma_wait3A_103] : memref<1000000x64xf32, #tpu.memory_space<hbm>> -> memref<1000000x64xf32, #tpu.memory_space<hbm>>
    tpu.wait_indirect_dma semaphore(%arg16 : memref<!tpu.dma_semaphore, #tpu.memory_space<semaphore_mem>>) src(%dma_wait3A_104 : memref<1000000x64xf32, #tpu.memory_space<hbm>>) dst(%dma_wait3A_99 : memref<128x64xf32, #tpu.memory_space<vmem>>)
    %dma_wait3A_105 = arith.constant 128 : i32
    %dma_wait3A_106 = arith.constant 0 : i32
    %dma_wait3A_107 = tpu.memref_slice %arg13[%dma_wait3A_105, %dma_wait3A_106] : memref<512x64xf32, #tpu.memory_space<vmem>> -> memref<128x64xf32, #tpu.memory_space<vmem>>
    %dma_wait3A_108 = arith.constant 128 : i32
    %dma_wait3A_109 = tpu.memref_slice %arg10[%dma_wait3A_108] : memref<512xi32, #tpu.memory_space<vmem>> -> memref<128xi32, #tpu.memory_space<vmem>>
    %dma_wait3A_110 = arith.constant 0 : i32
    %dma_wait3A_111 = arith.constant 0 : i32
    %dma_wait3A_112 = tpu.memref_slice %arg5[%dma_wait3A_110, %dma_wait3A_111] : memref<1000000x64xf32, #tpu.memory_space<hbm>> -> memref<1000000x64xf32, #tpu.memory_space<hbm>>
    tpu.wait_indirect_dma semaphore(%arg16 : memref<!tpu.dma_semaphore, #tpu.memory_space<semaphore_mem>>) src(%dma_wait3A_112 : memref<1000000x64xf32, #tpu.memory_space<hbm>>) dst(%dma_wait3A_107 : memref<128x64xf32, #tpu.memory_space<vmem>>)
    %dma_wait3A_113 = arith.constant 256 : i32
    %dma_wait3A_114 = arith.constant 0 : i32
    %dma_wait3A_115 = tpu.memref_slice %arg13[%dma_wait3A_113, %dma_wait3A_114] : memref<512x64xf32, #tpu.memory_space<vmem>> -> memref<128x64xf32, #tpu.memory_space<vmem>>
    %dma_wait3A_116 = arith.constant 256 : i32
    %dma_wait3A_117 = tpu.memref_slice %arg10[%dma_wait3A_116] : memref<512xi32, #tpu.memory_space<vmem>> -> memref<128xi32, #tpu.memory_space<vmem>>
    %dma_wait3A_118 = arith.constant 0 : i32
    %dma_wait3A_119 = arith.constant 0 : i32
    %dma_wait3A_120 = tpu.memref_slice %arg5[%dma_wait3A_118, %dma_wait3A_119] : memref<1000000x64xf32, #tpu.memory_space<hbm>> -> memref<1000000x64xf32, #tpu.memory_space<hbm>>
    tpu.wait_indirect_dma semaphore(%arg16 : memref<!tpu.dma_semaphore, #tpu.memory_space<semaphore_mem>>) src(%dma_wait3A_120 : memref<1000000x64xf32, #tpu.memory_space<hbm>>) dst(%dma_wait3A_115 : memref<128x64xf32, #tpu.memory_space<vmem>>)
    %dma_wait3A_121 = arith.constant 384 : i32
    %dma_wait3A_122 = arith.constant 0 : i32
    %dma_wait3A_123 = tpu.memref_slice %arg13[%dma_wait3A_121, %dma_wait3A_122] : memref<512x64xf32, #tpu.memory_space<vmem>> -> memref<128x64xf32, #tpu.memory_space<vmem>>
    %dma_wait3A_124 = arith.constant 384 : i32
    %dma_wait3A_125 = tpu.memref_slice %arg10[%dma_wait3A_124] : memref<512xi32, #tpu.memory_space<vmem>> -> memref<128xi32, #tpu.memory_space<vmem>>
    %dma_wait3A_126 = arith.constant 0 : i32
    %dma_wait3A_127 = arith.constant 0 : i32
    %dma_wait3A_128 = tpu.memref_slice %arg5[%dma_wait3A_126, %dma_wait3A_127] : memref<1000000x64xf32, #tpu.memory_space<hbm>> -> memref<1000000x64xf32, #tpu.memory_space<hbm>>
    tpu.wait_indirect_dma semaphore(%arg16 : memref<!tpu.dma_semaphore, #tpu.memory_space<semaphore_mem>>) src(%dma_wait3A_128 : memref<1000000x64xf32, #tpu.memory_space<hbm>>) dst(%dma_wait3A_123 : memref<128x64xf32, #tpu.memory_space<vmem>>)
    "tpu.region"() ({
      %run_scoped3A = tpu.sem_alloc : memref<!tpu.dma_semaphore, #tpu.memory_space<semaphore_mem>>
      %dma_start3A_193 = arith.constant 0 : i32
      %dma_start3A_194 = tpu.memref_slice %arg7[%mul3A_2, %dma_start3A_193] : memref<16384x64xf32, #tpu.memory_space<hbm>> -> memref<512x64xf32, #tpu.memory_space<hbm>>
      %dma_start3A_195 = arith.constant 0 : i32
      %dma_start3A_196 = tpu.memref_slice %arg7[%mul3A_2, %dma_start3A_195] : memref<16384x64xf32, #tpu.memory_space<hbm>> -> memref<512x64xf32, #tpu.memory_space<hbm>>
      tpu.enqueue_dma source(%arg13 : memref<512x64xf32, #tpu.memory_space<vmem>>) target(%dma_start3A_196 : memref<512x64xf32, #tpu.memory_space<hbm>>) target_semaphore(%run_scoped3A : memref<!tpu.dma_semaphore, #tpu.memory_space<semaphore_mem>>)
      %dma_wait3A_197 = arith.constant 0 : i32
      %dma_wait3A_198 = tpu.memref_slice %arg7[%mul3A_2, %dma_wait3A_197] : memref<16384x64xf32, #tpu.memory_space<hbm>> -> memref<512x64xf32, #tpu.memory_space<hbm>>
      %dma_wait3A_199 = arith.constant 0 : i32
      %dma_wait3A_200 = tpu.memref_slice %arg7[%mul3A_2, %dma_wait3A_199] : memref<16384x64xf32, #tpu.memory_space<hbm>> -> memref<512x64xf32, #tpu.memory_space<hbm>>
      tpu.wait_dma2 semaphore(%run_scoped3A : memref<!tpu.dma_semaphore, #tpu.memory_space<semaphore_mem>>) src(%arg13 : memref<512x64xf32, #tpu.memory_space<vmem>>) dst(%dma_wait3A_200 : memref<512x64xf32, #tpu.memory_space<hbm>>)
      tpu.yield
    }) : () -> ()
    %dma_wait3A_129 = arith.constant 0 : i32
    %dma_wait3A_130 = arith.constant 0 : i32
    %dma_wait3A_131 = tpu.memref_slice %arg14[%dma_wait3A_129, %dma_wait3A_130] : memref<512x64xf32, #tpu.memory_space<vmem>> -> memref<128x64xf32, #tpu.memory_space<vmem>>
    %dma_wait3A_132 = arith.constant 0 : i32
    %dma_wait3A_133 = tpu.memref_slice %arg11[%dma_wait3A_132] : memref<512xi32, #tpu.memory_space<vmem>> -> memref<128xi32, #tpu.memory_space<vmem>>
    %dma_wait3A_134 = arith.constant 0 : i32
    %dma_wait3A_135 = arith.constant 0 : i32
    %dma_wait3A_136 = tpu.memref_slice %arg6[%dma_wait3A_134, %dma_wait3A_135] : memref<1000x64xf32, #tpu.memory_space<hbm>> -> memref<1000x64xf32, #tpu.memory_space<hbm>>
    tpu.wait_indirect_dma semaphore(%arg17 : memref<!tpu.dma_semaphore, #tpu.memory_space<semaphore_mem>>) src(%dma_wait3A_136 : memref<1000x64xf32, #tpu.memory_space<hbm>>) dst(%dma_wait3A_131 : memref<128x64xf32, #tpu.memory_space<vmem>>)
    %dma_wait3A_137 = arith.constant 128 : i32
    %dma_wait3A_138 = arith.constant 0 : i32
    %dma_wait3A_139 = tpu.memref_slice %arg14[%dma_wait3A_137, %dma_wait3A_138] : memref<512x64xf32, #tpu.memory_space<vmem>> -> memref<128x64xf32, #tpu.memory_space<vmem>>
    %dma_wait3A_140 = arith.constant 128 : i32
    %dma_wait3A_141 = tpu.memref_slice %arg11[%dma_wait3A_140] : memref<512xi32, #tpu.memory_space<vmem>> -> memref<128xi32, #tpu.memory_space<vmem>>
    %dma_wait3A_142 = arith.constant 0 : i32
    %dma_wait3A_143 = arith.constant 0 : i32
    %dma_wait3A_144 = tpu.memref_slice %arg6[%dma_wait3A_142, %dma_wait3A_143] : memref<1000x64xf32, #tpu.memory_space<hbm>> -> memref<1000x64xf32, #tpu.memory_space<hbm>>
    tpu.wait_indirect_dma semaphore(%arg17 : memref<!tpu.dma_semaphore, #tpu.memory_space<semaphore_mem>>) src(%dma_wait3A_144 : memref<1000x64xf32, #tpu.memory_space<hbm>>) dst(%dma_wait3A_139 : memref<128x64xf32, #tpu.memory_space<vmem>>)
    %dma_wait3A_145 = arith.constant 256 : i32
    %dma_wait3A_146 = arith.constant 0 : i32
    %dma_wait3A_147 = tpu.memref_slice %arg14[%dma_wait3A_145, %dma_wait3A_146] : memref<512x64xf32, #tpu.memory_space<vmem>> -> memref<128x64xf32, #tpu.memory_space<vmem>>
    %dma_wait3A_148 = arith.constant 256 : i32
    %dma_wait3A_149 = tpu.memref_slice %arg11[%dma_wait3A_148] : memref<512xi32, #tpu.memory_space<vmem>> -> memref<128xi32, #tpu.memory_space<vmem>>
    %dma_wait3A_150 = arith.constant 0 : i32
    %dma_wait3A_151 = arith.constant 0 : i32
    %dma_wait3A_152 = tpu.memref_slice %arg6[%dma_wait3A_150, %dma_wait3A_151] : memref<1000x64xf32, #tpu.memory_space<hbm>> -> memref<1000x64xf32, #tpu.memory_space<hbm>>
    tpu.wait_indirect_dma semaphore(%arg17 : memref<!tpu.dma_semaphore, #tpu.memory_space<semaphore_mem>>) src(%dma_wait3A_152 : memref<1000x64xf32, #tpu.memory_space<hbm>>) dst(%dma_wait3A_147 : memref<128x64xf32, #tpu.memory_space<vmem>>)
    %dma_wait3A_153 = arith.constant 384 : i32
    %dma_wait3A_154 = arith.constant 0 : i32
    %dma_wait3A_155 = tpu.memref_slice %arg14[%dma_wait3A_153, %dma_wait3A_154] : memref<512x64xf32, #tpu.memory_space<vmem>> -> memref<128x64xf32, #tpu.memory_space<vmem>>
    %dma_wait3A_156 = arith.constant 384 : i32
    %dma_wait3A_157 = tpu.memref_slice %arg11[%dma_wait3A_156] : memref<512xi32, #tpu.memory_space<vmem>> -> memref<128xi32, #tpu.memory_space<vmem>>
    %dma_wait3A_158 = arith.constant 0 : i32
    %dma_wait3A_159 = arith.constant 0 : i32
    %dma_wait3A_160 = tpu.memref_slice %arg6[%dma_wait3A_158, %dma_wait3A_159] : memref<1000x64xf32, #tpu.memory_space<hbm>> -> memref<1000x64xf32, #tpu.memory_space<hbm>>
    tpu.wait_indirect_dma semaphore(%arg17 : memref<!tpu.dma_semaphore, #tpu.memory_space<semaphore_mem>>) src(%dma_wait3A_160 : memref<1000x64xf32, #tpu.memory_space<hbm>>) dst(%dma_wait3A_155 : memref<128x64xf32, #tpu.memory_space<vmem>>)
    "tpu.region"() ({
      %run_scoped3A = tpu.sem_alloc : memref<!tpu.dma_semaphore, #tpu.memory_space<semaphore_mem>>
      %dma_start3A_193 = arith.constant 0 : i32
      %dma_start3A_194 = tpu.memref_slice %arg8[%mul3A_2, %dma_start3A_193] : memref<16384x64xf32, #tpu.memory_space<hbm>> -> memref<512x64xf32, #tpu.memory_space<hbm>>
      %dma_start3A_195 = arith.constant 0 : i32
      %dma_start3A_196 = tpu.memref_slice %arg8[%mul3A_2, %dma_start3A_195] : memref<16384x64xf32, #tpu.memory_space<hbm>> -> memref<512x64xf32, #tpu.memory_space<hbm>>
      tpu.enqueue_dma source(%arg14 : memref<512x64xf32, #tpu.memory_space<vmem>>) target(%dma_start3A_196 : memref<512x64xf32, #tpu.memory_space<hbm>>) target_semaphore(%run_scoped3A : memref<!tpu.dma_semaphore, #tpu.memory_space<semaphore_mem>>)
      %dma_wait3A_197 = arith.constant 0 : i32
      %dma_wait3A_198 = tpu.memref_slice %arg8[%mul3A_2, %dma_wait3A_197] : memref<16384x64xf32, #tpu.memory_space<hbm>> -> memref<512x64xf32, #tpu.memory_space<hbm>>
      %dma_wait3A_199 = arith.constant 0 : i32
      %dma_wait3A_200 = tpu.memref_slice %arg8[%mul3A_2, %dma_wait3A_199] : memref<16384x64xf32, #tpu.memory_space<hbm>> -> memref<512x64xf32, #tpu.memory_space<hbm>>
      tpu.wait_dma2 semaphore(%run_scoped3A : memref<!tpu.dma_semaphore, #tpu.memory_space<semaphore_mem>>) src(%arg14 : memref<512x64xf32, #tpu.memory_space<vmem>>) dst(%dma_wait3A_200 : memref<512x64xf32, #tpu.memory_space<hbm>>)
      tpu.yield
    }) : () -> ()
    %dma_wait3A_161 = arith.constant 0 : i32
    %dma_wait3A_162 = arith.constant 0 : i32
    %dma_wait3A_163 = tpu.memref_slice %arg15[%dma_wait3A_161, %dma_wait3A_162] : memref<512x64xf32, #tpu.memory_space<vmem>> -> memref<128x64xf32, #tpu.memory_space<vmem>>
    %dma_wait3A_164 = arith.constant 0 : i32
    %dma_wait3A_165 = tpu.memref_slice %arg12[%dma_wait3A_164] : memref<512xi32, #tpu.memory_space<vmem>> -> memref<128xi32, #tpu.memory_space<vmem>>
    %dma_wait3A_166 = arith.constant 0 : i32
    %dma_wait3A_167 = arith.constant 0 : i32
    %dma_wait3A_168 = tpu.memref_slice %arg5[%dma_wait3A_166, %dma_wait3A_167] : memref<1000000x64xf32, #tpu.memory_space<hbm>> -> memref<1000000x64xf32, #tpu.memory_space<hbm>>
    tpu.wait_indirect_dma semaphore(%arg18 : memref<!tpu.dma_semaphore, #tpu.memory_space<semaphore_mem>>) src(%dma_wait3A_168 : memref<1000000x64xf32, #tpu.memory_space<hbm>>) dst(%dma_wait3A_163 : memref<128x64xf32, #tpu.memory_space<vmem>>)
    %dma_wait3A_169 = arith.constant 128 : i32
    %dma_wait3A_170 = arith.constant 0 : i32
    %dma_wait3A_171 = tpu.memref_slice %arg15[%dma_wait3A_169, %dma_wait3A_170] : memref<512x64xf32, #tpu.memory_space<vmem>> -> memref<128x64xf32, #tpu.memory_space<vmem>>
    %dma_wait3A_172 = arith.constant 128 : i32
    %dma_wait3A_173 = tpu.memref_slice %arg12[%dma_wait3A_172] : memref<512xi32, #tpu.memory_space<vmem>> -> memref<128xi32, #tpu.memory_space<vmem>>
    %dma_wait3A_174 = arith.constant 0 : i32
    %dma_wait3A_175 = arith.constant 0 : i32
    %dma_wait3A_176 = tpu.memref_slice %arg5[%dma_wait3A_174, %dma_wait3A_175] : memref<1000000x64xf32, #tpu.memory_space<hbm>> -> memref<1000000x64xf32, #tpu.memory_space<hbm>>
    tpu.wait_indirect_dma semaphore(%arg18 : memref<!tpu.dma_semaphore, #tpu.memory_space<semaphore_mem>>) src(%dma_wait3A_176 : memref<1000000x64xf32, #tpu.memory_space<hbm>>) dst(%dma_wait3A_171 : memref<128x64xf32, #tpu.memory_space<vmem>>)
    %dma_wait3A_177 = arith.constant 256 : i32
    %dma_wait3A_178 = arith.constant 0 : i32
    %dma_wait3A_179 = tpu.memref_slice %arg15[%dma_wait3A_177, %dma_wait3A_178] : memref<512x64xf32, #tpu.memory_space<vmem>> -> memref<128x64xf32, #tpu.memory_space<vmem>>
    %dma_wait3A_180 = arith.constant 256 : i32
    %dma_wait3A_181 = tpu.memref_slice %arg12[%dma_wait3A_180] : memref<512xi32, #tpu.memory_space<vmem>> -> memref<128xi32, #tpu.memory_space<vmem>>
    %dma_wait3A_182 = arith.constant 0 : i32
    %dma_wait3A_183 = arith.constant 0 : i32
    %dma_wait3A_184 = tpu.memref_slice %arg5[%dma_wait3A_182, %dma_wait3A_183] : memref<1000000x64xf32, #tpu.memory_space<hbm>> -> memref<1000000x64xf32, #tpu.memory_space<hbm>>
    tpu.wait_indirect_dma semaphore(%arg18 : memref<!tpu.dma_semaphore, #tpu.memory_space<semaphore_mem>>) src(%dma_wait3A_184 : memref<1000000x64xf32, #tpu.memory_space<hbm>>) dst(%dma_wait3A_179 : memref<128x64xf32, #tpu.memory_space<vmem>>)
    %dma_wait3A_185 = arith.constant 384 : i32
    %dma_wait3A_186 = arith.constant 0 : i32
    %dma_wait3A_187 = tpu.memref_slice %arg15[%dma_wait3A_185, %dma_wait3A_186] : memref<512x64xf32, #tpu.memory_space<vmem>> -> memref<128x64xf32, #tpu.memory_space<vmem>>
    %dma_wait3A_188 = arith.constant 384 : i32
    %dma_wait3A_189 = tpu.memref_slice %arg12[%dma_wait3A_188] : memref<512xi32, #tpu.memory_space<vmem>> -> memref<128xi32, #tpu.memory_space<vmem>>
    %dma_wait3A_190 = arith.constant 0 : i32
    %dma_wait3A_191 = arith.constant 0 : i32
    %dma_wait3A_192 = tpu.memref_slice %arg5[%dma_wait3A_190, %dma_wait3A_191] : memref<1000000x64xf32, #tpu.memory_space<hbm>> -> memref<1000000x64xf32, #tpu.memory_space<hbm>>
    tpu.wait_indirect_dma semaphore(%arg18 : memref<!tpu.dma_semaphore, #tpu.memory_space<semaphore_mem>>) src(%dma_wait3A_192 : memref<1000000x64xf32, #tpu.memory_space<hbm>>) dst(%dma_wait3A_187 : memref<128x64xf32, #tpu.memory_space<vmem>>)
    "tpu.region"() ({
      %run_scoped3A = tpu.sem_alloc : memref<!tpu.dma_semaphore, #tpu.memory_space<semaphore_mem>>
      %dma_start3A_193 = arith.constant 0 : i32
      %dma_start3A_194 = tpu.memref_slice %arg9[%mul3A_2, %dma_start3A_193] : memref<16384x64xf32, #tpu.memory_space<hbm>> -> memref<512x64xf32, #tpu.memory_space<hbm>>
      %dma_start3A_195 = arith.constant 0 : i32
      %dma_start3A_196 = tpu.memref_slice %arg9[%mul3A_2, %dma_start3A_195] : memref<16384x64xf32, #tpu.memory_space<hbm>> -> memref<512x64xf32, #tpu.memory_space<hbm>>
      tpu.enqueue_dma source(%arg15 : memref<512x64xf32, #tpu.memory_space<vmem>>) target(%dma_start3A_196 : memref<512x64xf32, #tpu.memory_space<hbm>>) target_semaphore(%run_scoped3A : memref<!tpu.dma_semaphore, #tpu.memory_space<semaphore_mem>>)
      %dma_wait3A_197 = arith.constant 0 : i32
      %dma_wait3A_198 = tpu.memref_slice %arg9[%mul3A_2, %dma_wait3A_197] : memref<16384x64xf32, #tpu.memory_space<hbm>> -> memref<512x64xf32, #tpu.memory_space<hbm>>
      %dma_wait3A_199 = arith.constant 0 : i32
      %dma_wait3A_200 = tpu.memref_slice %arg9[%mul3A_2, %dma_wait3A_199] : memref<16384x64xf32, #tpu.memory_space<hbm>> -> memref<512x64xf32, #tpu.memory_space<hbm>>
      tpu.wait_dma2 semaphore(%run_scoped3A : memref<!tpu.dma_semaphore, #tpu.memory_space<semaphore_mem>>) src(%arg15 : memref<512x64xf32, #tpu.memory_space<vmem>>) dst(%dma_wait3A_200 : memref<512x64xf32, #tpu.memory_space<hbm>>)
      tpu.yield
    }) : () -> ()
    return
  }
}

</mosaic_0001>

<sc_bundles>
// kernel: kernel.3.cloned.1.call-start
scs
__scs_entry_jumppad:
0x0: {  	(pc) =	sbr.rel $0x88, $3  }
0x1: {  	(tag) =	ssettag $0x0;
	lr =	simm.s32 $0x1  }
0x2: {  	[smem:$0x3F9C] =	sst lr;
	_ =	strace $0xD0000000  }
0x3: {  	_ = 	snop  }
0x4: {  	_ = 	snop  }
0x5: {  	_ = 	snop  }
0x6: {  	_ = 	snop  }
0x7: {  	_ = 	snop  }
__scs_overlays_trampoline_lowered:
0x8: {  	[smem:$0x3FAB] =	sst s0  }
0x9: {  	[smem:$0x3FAC] =	sst s1  }
0xa: {  	[smem:$0x3FAD] =	sst s2  }
0xb: {  	[smem:$0x3FAE] =	sst s3  }
0xc: {  	[smem:$0x3FAF] =	sst s4  }
0xd: {  	[smem:$0x3FB0] =	sst s5  }
0xe: {  	[smem:$0x3FB1] =	sst s6  }
0xf: {  	[smem:$0x3FB2] =	sst s7  }
0x10: {  	[smem:$0x3FB3] =	sst s8  }
0x11: {  	[smem:$0x3FB4] =	sst s9;
	s0 =	simm.s32 @!p0 $0x0  }
0x12: {  	s1 =	sld [smem:$0x3F9A];
	s0 =	simm.s32 @p0 $0x1  }
0x13: {  	[smem:$0x3FB5] =	sst s0;
	s0 =	simm.s32 @!p1 $0x0  }
0x14: {  	s2 =	sld [smem:$0x3F99];
	s0 =	simm.s32 @p1 $0x1  }
0x15: {  	[smem:$0x3FB6] =	sst s0;
	s0 =	simm.s32 @!p2 $0x0  }
0x16: {  	s3 =	sld [smem:$0x3FDB];
	s0 =	simm.s32 @p2 $0x1  }
0x17: {  	s4 =	simm.s32 $0x1BF5;
	[smem:$0x3FB8] =	sst s0  }
0x18: {  	s0 =	sld [smem:$0x3F9B];
	_ =	swait.ge [sflag:s4], $0x0  }
0x19: {  	s7 =	sld [smem:$0x3F9C]  }
0x1a: {  	s8 =	sadd.s32 $0xFFFFE003, lr  }
0x1b: {  	s9 =	sadd.s32 $0xFFFFFEF7, lr;
	s5 =	simm.s32 $0xFFFFFFFF;
	p2 =	slt.u32 s8, $0xFFFFF086  }
0x1c: {  	p1 =	slt.u32 s9, $0xF7A;
	s5 =	simm.s32 @!p2 $0x0  }
0x1d: {  	s5 =	simm.s32 @p1 $0x1;
	p0 =	seq.s32 s7, s2  }
0x1e: {  	s7 =	smul.u32 @!p0 $0xF7A, s2;
	p2 =	seq.s32 @!p0 s5, $0x0  }
0x1f: {  	s9 =	smul.u32 $0xF7A, s1;
	s8 =	simm.s32 @!p0 $0x1BF5;
	p2 =	por !p2, p0  }
0x20: {  	[sflag:s8] =	ssyncset.s32 @!p0 $0xFFFFF086;
	s6 =	sadd.s32 @!p0 s3, s7;
	s7 =	simm.s32 @!p0 $0x108  }
0x21: {  	s3 =	sadd.s32 s3, s9;
	s6 =	sadd.s32 @!p0 $0x88, s6;
	s7 =	simm.s32 @p2 $0x1082  }
0x22: {  	[simem:s7], [sflag:s8] =	dma.local @!p0 [hbm:s6], $0xF7A  }
0x23: {  	s9 =	sor.u32 $0xD0000000, s2;
	s6 =	simm.s32 $0x108;
	_ =	swait.ge @!p0 [sflag:s8], $0x0  }
0x24: {  	s3 =	sadd.s32 $0x88, s3;
	s6 =	simm.s32 @!p1 $0x1082;
	[sflag:s4] =	ssyncset.s32 $0xFFFFF086  }
0x25: {  	[simem:s6], [sflag:s4] =	dma.local [hbm:s3], $0xF7A  }
0x26: {  	[smem:$0x3F9C] =	sst s1;
	(tag) =	ssettag s2;
	_ =	strace s9  }
0x27: {  	s1 =	sld [smem:$0x3FAC]  }
0x28: {  	s2 =	sld [smem:$0x3FAD]  }
0x29: {  	s4 =	sld [smem:$0x3FAF]  }
0x2a: {  	p0 =	seq.s32 s5, $0x0;
	s5 =	sld [smem:$0x3FB0]  }
0x2b: {  	s6 =	sld [smem:$0x3FB1]  }
0x2c: {  	s7 =	sld [smem:$0x3FB2]  }
0x2d: {  	s3 =	simm.s32 $0x108;
	s8 =	sld [smem:$0x3FB3]  }
0x2e: {  	s3 =	simm.s32 @!p0 $0x1082;
	s9 =	sld [smem:$0x3FB4]  }
0x2f: {  	lr =	sadd.s32 s0, s3;
	s0 =	sld [smem:$0x3FAB]  }
0x30: {  	s3 =	sld [smem:$0x3FAE]  }
0x31: {  	[smem:$0x3FB7] =	sst s10  }
0x32: {  	s10 =	sld [smem:$0x3FB5];
	_ =	sdelay $0x3  }
0x33: {  	p0 =	seq.s32 s10, $0x1;
	s10 =	sld [smem:$0x3FB7];
	_ =	sdelay $0x3  }
0x34: {  	[smem:$0x3FB7] =	sst s10  }
0x35: {  	s10 =	sld [smem:$0x3FB6];
	_ =	sdelay $0x3  }
0x36: {  	p1 =	seq.s32 s10, $0x1;
	s10 =	sld [smem:$0x3FB7];
	_ =	sdelay $0x3  }
0x37: {  	[smem:$0x3FB7] =	sst s10  }
0x38: {  	s10 =	sld [smem:$0x3FB8]  }
0x39: {  	_ = 	snop;
	(pc) =	sbr.ind lr, $3  }
0x3a: {  	_ = 	snop  }
0x3b: {  	_ = 	snop  }
0x3c: {  	p2 =	seq.s32 s10, $0x1;
	s10 =	sld [smem:$0x3FB7]  }
0x3d: {  	_ =	shalt  }
0x3e: {  	_ =	shalt  }
0x3f: {  	_ =	shalt  }
0x40: {  	_ =	shalt  }
0x41: {  	_ =	shalt  }
0x42: {  	_ =	shalt  }
0x43: {  	_ =	shalt  }
0x44: {  	_ =	shalt  }
0x45: {  	_ =	shalt  }
0x46: {  	_ =	shalt  }
0x47: {  	_ =	shalt  }
0x48: {  	_ =	shalt  }
0x49: {  	_ =	shalt  }
0x4a: {  	_ =	shalt  }
0x4b: {  	_ =	shalt  }
0x4c: {  	_ =	shalt  }
0x4d: {  	_ =	shalt  }
0x4e: {  	_ =	shalt  }
0x4f: {  	_ =	shalt  }
0x50: {  	_ =	shalt  }
0x51: {  	_ =	shalt  }
0x52: {  	_ =	shalt  }
0x53: {  	_ =	shalt  }
0x54: {  	_ =	shalt  }
0x55: {  	_ =	shalt  }
0x56: {  	_ =	shalt  }
0x57: {  	_ =	shalt  }
0x58: {  	_ =	shalt  }
0x59: {  	_ =	shalt  }
0x5a: {  	_ =	shalt  }
0x5b: {  	_ =	shalt  }
0x5c: {  	_ =	shalt  }
0x5d: {  	_ =	shalt  }
0x5e: {  	_ =	shalt  }
0x5f: {  	_ =	shalt  }
0x60: {  	_ =	shalt  }
0x61: {  	_ =	shalt  }
0x62: {  	_ =	shalt  }
0x63: {  	_ =	shalt  }
0x64: {  	_ =	shalt  }
0x65: {  	_ =	shalt  }
0x66: {  	_ =	shalt  }
0x67: {  	_ =	shalt  }
0x68: {  	_ =	shalt  }
0x69: {  	_ =	shalt  }
0x6a: {  	_ =	shalt  }
0x6b: {  	_ =	shalt  }
0x6c: {  	_ =	shalt  }
0x6d: {  	_ =	shalt  }
0x6e: {  	_ =	shalt  }
0x6f: {  	_ =	shalt  }
0x70: {  	_ =	shalt  }
0x71: {  	_ =	shalt  }
0x72: {  	_ =	shalt  }
0x73: {  	_ =	shalt  }
0x74: {  	_ =	shalt  }
0x75: {  	_ =	shalt  }
0x76: {  	_ =	shalt  }
0x77: {  	_ =	shalt  }
0x78: {  	_ =	shalt  }
0x79: {  	_ =	shalt  }
0x7a: {  	_ =	shalt  }
0x7b: {  	_ =	shalt  }
0x7c: {  	_ =	shalt  }
0x7d: {  	_ =	shalt  }
0x7e: {  	_ =	shalt  }
0x7f: {  	_ =	shalt  }
0x80: {  	_ =	shalt  }
0x81: {  	_ =	shalt  }
0x82: {  	_ =	shalt  }
0x83: {  	_ =	shalt  }
0x84: {  	_ =	shalt  }
0x85: {  	_ =	shalt  }
0x86: {  	_ =	shalt  }
0x87: {  	_ =	shalt  }
.Lfunc_end0:
.L_simem_size_0:
called_computation_lowered:
.L_overlay_start_0:
0x88: {  	s2 =	sld [smem:$0x3FD9]  }
0x89: {  	s3 =	sld [smem:$0x3FFE];
	_ =	sdelay $0x1  }
0x8a: {  	s1 =	srdreg.scid  }
0x8b: {  	s0 =	sand.u32 $0x1, s1  }
0x8c: {  	s14 =	sshll.u32 s0, $0xA;
	s2 =	sadd.s32 s3, s2  }
0x8d: {  	s2 =	sadd.s32 s2, s14  }
0x8e: {  	[smem:$0x3FC3] =	sst s2  }
0x8f: {  	_ = 	snop  }
0x90: {  	s2 =	sld [smem:$0x3FD0]  }
0x91: {  	s15 =	sld [smem:$0x3FC9]  }
0x92: {  	s4 =	sld [smem:$0x3FC8]  }
0x93: {  	s6 =	simm.s32 $0xA;
	s7 =	simm.s32 $0x10;
	s5 =	sld [smem:$0x3FC7]  }
0x94: {  	[smem:s7], [sflag:s6] =	dma.local [hbm:s2], $0x1  }
0x95: {  	_ =	swait.eq [sflag:s6], $0x1  }
0x96: {  	s16 =	sld [smem:$0x10];
	[sflag:s6] =	ssyncset.done $0x0  }
0x97: {  	s17 =	sld [smem:$0x11];
	[sflag:s6] =	ssyncadd.s32 $0xFFFFFFFF  }
0x98: {  	s18 =	sld [smem:$0x12];
	(tm) =	ssettm $0x1  }
0x99: {  	s8 =	sld [smem:$0x3FFB];
	_ =	sdelay $0x3  }
0x9a: {  	_ =	strace s8  }
0x9b: {  	s8 =	sld [smem:$0x3FFC];
	_ =	sdelay $0x3  }
0x9c: {  	_ =	strace s8  }
0x9d: {  	s8 =	sld [smem:$0x3FFD];
	_ =	sdelay $0x3  }
0x9e: {  	_ =	strace s8  }
0x9f: {  	_ =	strace $0x8FFFFFFF  }
0xa0: {  	s19 =	sld [smem:$0x3FDB];
	_ =	sdelay $0x1  }
0xa1: {  	s9 =	simm.s32 $_scs_section_size  }
0xa2: {  	s10 =	simm.s32 $_size__tile_overlayer_lowered;
	s11 =	simm.s32 $_tile_overlayer_lowered  }
0xa3: {  	s22 =	simm.s32 $0x1BFF;
	s21 =	sshll.u32 s11, $0x1;
	s8 =	sadd.s32 s9, s19  }
0xa4: {  	s12 =	simm.s32 $0x0;
	s20 =	sshll.u32 s10, $0x1;
	s10 =	sadd.s32 s21, s8  }
0xa5: {  	[timem:s12], [sflag:s22] =	dma.local [hbm:s10], s20  }
0xa6: {  	_ =	swait.ge [sflag:s22], s20  }
0xa7: {  	s9 =	ssub.s32 $0x0, s20;
	[sflag:s22] =	ssyncset.done $0x0  }
0xa8: {  	[sflag:s22] =	ssyncadd.s32 s9;
	_ =	sdelay $0x1  }
0xa9: {  	s23 =	simm.s32 $0x1B8B  }
0xaa: {  	_ =	swait.ge [sflag:s23], $0x1  }
0xab: {  	[sflag:s23] =	ssyncset.done $0x0  }
0xac: {  	s25 =	simm.s32 $0x1B8E;
	s24 =	sld [smem:$0x3FFE];
	[sflag:s23] =	ssyncadd.s32 $0xFFFFFFFF  }
0xad: {  	s26 =	simm.s32 $execute0_lowered;
	[smem:$0x3FD2] =	sst s25  }
0xae: {  	s10 =	sshll.u32 s26, $0x1;
	_ =	strace $0x80000046;
	[dreg:$0x1] =	wrdreg $0xFFFFFFFF  }
0xaf: {  	s28 =	simm.s32 $_size_execute0_lowered;
	s8 =	sadd.s32 s8, s10;
	[dreg:$0x0] =	wrdreg $0x0  }
0xb0: {  	s10 =	sshll.u32 s28, $0x1;
	[dreg:$0x2] =	wrdreg s8  }
0xb1: {  	[dreg:$0x3] =	wrdreg s10  }
0xb2: {  	[dreg:$0x4] =	wrdreg $0xC0  }
0xb3: {  	_ =	task [dreg:s12], $0x5FFFF  }
0xb4: {  	[dreg:$0x1] =	wrdreg $0xFFFFFFFF  }
0xb5: {  	[dreg:$0x0] =	wrdreg $0x60  }
0xb6: {  	[dreg:$0x2] =	wrdreg s15  }
0xb7: {  	[dreg:$0x3] =	wrdreg s4  }
0xb8: {  	[dreg:$0x4] =	wrdreg s5  }
0xb9: {  	[dreg:$0x5] =	wrdreg s24  }
0xba: {  	[dreg:$0x6] =	wrdreg s16  }
0xbb: {  	[dreg:$0x7] =	wrdreg s18  }
0xbc: {  	[dreg:$0x8] =	wrdreg s17  }
0xbd: {  	[dreg:$0x9] =	wrdreg $0x9  }
0xbe: {  	_ =	task.clear_ibuf [dreg:s12], $0xAFFFF;
	_ =	strace $0x90000046  }
0xbf: {  	s29 =	simm.s32 $0x9;
	_ =	strace $0x80000048  }
0xc0: {  	_ =	swait.ge [sflag:s29], $0x1  }
0xc1: {  	[sflag:s29] =	ssyncadd.s32 $0xFFFFFFFF  }
0xc2: {  	_ =	strace $0x90000048  }
0xc3: {  	_ =	sfence  }
0xc4: {  	s30 =	sld [smem:$0x0];
	_ =	sdelay $0x2  }
0xc5: {  	s31 =	sshll.u32 s1, $0xD;
	s1 =	sshrl.u32 s1, $0x2  }
0xc6: {  	s3 =	sand.u32 $0x4000, s31;
	s1 =	sadd.s32 s1, s30  }
0xc7: {  	s0 =	sor.u32 s3, s0;
	s1 =	sshll.u32 s1, $0x11  }
0xc8: {  	s0 =	sor.u32 s1, s0  }
0xc9: {  	s0 =	sadd.s32 $0x8F2B, s0  }
0xca: {  	[sflag:s0] =	ssyncadd.remote.s32 $0x1  }
0xcb: {  	_ =	sfence.sel $0xFFFF  }
0xcc: {  	[dreg:$0x0] =	wrdreg $0xFFFFFFFF;
	(pc) =	sbr.abs _section_cstart, $3  }
0xcd: {  	[dreg:$0x1] =	wrdreg $0xFFFFFFFF  }
0xce: {  	_ =	task.clear_ibuf [dreg:s12], $0x2FFFF;
	_ =	strace $0x9FFFFFFF  }
0xcf: {  	(tm) =	ssettm $0x7FFFFFFF  }
tec
execute0_lowered:
.L_overlay_start_1:
0x0: {  	(tag) =	ssettag $0x1  }
0x1: {  	s0 =	rddreg [dreg:$0x0]  }
0x2: {  	s1 =	rddreg [dreg:$0x1]  }
0x3: {  	s3 =	rddreg [dreg:$0x2]  }
0x4: {  	s4 =	rddreg [dreg:$0x3]  }
0x5: {  	s5 =	rddreg [dreg:$0x4]  }
0x6: {  	s2 =	srdreg.scid;
	s6 =	rddreg [dreg:$0x5]  }
0x7: {  	s9 =	stileid.u32;
	s8 =	rddreg [dreg:$0x6]  }
0x8: {  	s15 =	simm.s32 $0x280;
	s16 =	simm.s32 $0xA600;
	s17 =	simm.s32 $0x480  }
0x9: {  	s18 =	simm.s32 $0x12600;
	s19 =	simm.s32 $0x100;
	s20 =	simm.s32 $0x4600  }
0xa: {  	s21 =	simm.s32 $0x300;
	s22 =	simm.s32 $0xC600;
	s28 =	simm.s32 $0x380  }
0xb: {  	p0 =	por $0x0, $0x0;
	s29 =	simm.s32 $0xE600;
	s7 =	sand.u32 $0x1, s2  }
0xc: {  	s9 =	sshll.u32 s9, $0xA;
	s2 =	simm.s32 $0x0;
	s10 =	sshll.u32 s7, $0x9  }
0xd: {  	s30 =	simm.s32 $0x580;
	[smem:$0x7FF] =	sst s2;
	s9 =	sor.u32 s10, s9  }
0xe: {  	s31 =	simm.s32 $0x16600;
	_ =	strace $0x80000047;
	s10 =	sshrl.u32 s9, $0x3  }
0xf: {  	s24 =	sshll.u32 s9, $0x3;
	s0 =	sadd.s32 s0, s10;
	s23 =	sadd.s32 s1, s10  }
0x10: {  	s25 =	sadd.s32 s3, s10;
	s26 =	sadd.s32 s24, s4;
	s9 =	sadd.s32 s6, s24  }
0x11: {  	s10 =	ssub.s32 $0x2, s7;
	s11 =	sadd.s32 s8, s24;
	[dreg:$0x8] =	wrdreg s0  }
0x12: {  	s3 =	simm.s32 $0x4;
	s8 =	simm.s32 $0x600;
	[dreg:$0x9] =	wrdreg s23  }
0x13: {  	s6 =	simm.s32 $0x8600;
	[dreg:$0xa] =	wrdreg s25;
	s12 =	sshrl.u32 s10, $0x1  }
0x14: {  	s24 =	simm.s32 $0x14600;
	[dreg:$0xb] =	wrdreg s9;
	s1 =	ssub.s32 s10, s12  }
0x15: {  	s7 =	simm.s32 $0x3;
	[dreg:$0xc] =	wrdreg s11;
	s14 =	smax.u32 s1, $0x1  }
0x16: {  	s13 =	sadd.s32 $0xE00, s26;
	s9 =	sadd.s32 $0xF43200, s4;
	p1 =	sne.s32 s14, $0x1  }
.Ltmp0:
0x17: {  	s11 =	simm.s32 $0x80;
	s4 =	simm.s32 $0x10600;
	(pc) =	sbr.rel @!p1 .LBB2_3-.Ltmp0, $4  }
0x18: {  	s26 =	simm.s32 $0x2600;
	s23 =	simm.s32 $0x500;
	s25 =	simm.s32 $0x180  }
0x19: {  	[dreg:$0xd] =	wrdreg s13;
	s13 =	simm.s32 $0x200;
	s12 =	simm.s32 $0x400  }
0x1a: {  	[dreg:$0xe] =	wrdreg s26;
	s26 =	simm.s32 $0x6600;
	s10 =	simm.s32 $0x2  }
0x1b: {  	s0 =	rddreg [dreg:$0x8];
	s1 =	sadd.s32 $0xFFFFFFFF, s14;
	s14 =	simm.s32 $0x1  }
0x1c: {  	[tilespmem:s2], [sflag:$0x4] =	stream.linear.gather [hbm4b:s0+s2], $0x200, $0x38;
	[tilespmem:$0x18600] =	vst v63  }
0x1d: {  	_ =	swait.ge [sflag:s3], $0x200  }
0x1e: {  	[sflag:s3] =	ssyncset.done $0x0  }
0x1f: {  	s0 =	rddreg [dreg:$0x9];
	[sflag:s3] =	ssyncadd.s32 $0xFFFFFE00  }
0x20: {  	[tilespmem:s13], [sflag:$0x4] =	stream.linear.gather [hbm4b:s0+s2], $0x200, $0x38;
	[tilespmem:$0x18600] =	vst v63  }
0x21: {  	_ =	swait.ge [sflag:s3], $0x200  }
0x22: {  	[sflag:s3] =	ssyncset.done $0x0  }
0x23: {  	s0 =	rddreg [dreg:$0xa];
	[sflag:s3] =	ssyncadd.s32 $0xFFFFFE00  }
0x24: {  	[tilespmem:s12], [sflag:$0x4] =	stream.linear.gather [hbm4b:s0+s2], $0x200, $0x38;
	[tilespmem:$0x18600] =	vst v63  }
0x25: {  	_ =	swait.ge [sflag:s3], $0x200  }
0x26: {  	[sflag:s3] =	ssyncset.done $0x0  }
0x27: {  	[sflag:s3] =	ssyncadd.s32 $0xFFFFFE00  }
0x28: {  	[tilespmem:s8], [sflag:$0x1] =	stream.indirect.gather [hbm4b:s9+s11], $0x40, s2, s11, $0xb8;
	[tilespmem:$0x18600] =	vst v63  }
0x29: {  	_ = 	snop  }
0x2a: {  	[tilespmem:s6], [sflag:$0x2] =	stream.indirect.gather [hbm4b:s5+s11], $0x40, s13, s11, $0xb8;
	[tilespmem:$0x18600] =	vst v63  }
0x2b: {  	_ = 	snop  }
0x2c: {  	[tilespmem:s4], [sflag:$0x3] =	stream.indirect.gather [hbm4b:s9+s11], $0x40, s12, s11, $0xb8;
	[tilespmem:$0x18600] =	vst v63  }
0x2d: {  	s0 =	rddreg [dreg:$0xe]  }
0x2e: {  	[tilespmem:s0], [sflag:$0x1] =	stream.indirect.gather [hbm4b:s9+s11], $0x40, s11, s11, $0xb8;
	[tilespmem:$0x18600] =	vst v63  }
0x2f: {  	_ = 	snop  }
0x30: {  	[tilespmem:s16], [sflag:$0x2] =	stream.indirect.gather [hbm4b:s5+s11], $0x40, s15, s11, $0xb8;
	[tilespmem:$0x18600] =	vst v63  }
0x31: {  	_ = 	snop  }
0x32: {  	[tilespmem:s18], [sflag:$0x3] =	stream.indirect.gather [hbm4b:s9+s11], $0x40, s17, s11, $0xb8;
	[tilespmem:$0x18600] =	vst v63  }
0x33: {  	_ = 	snop  }
0x34: {  	[tilespmem:s20], [sflag:$0x1] =	stream.indirect.gather [hbm4b:s9+s11], $0x40, s19, s11, $0xb8;
	[tilespmem:$0x18600] =	vst v63  }
0x35: {  	_ = 	snop  }
0x36: {  	[tilespmem:s22], [sflag:$0x2] =	stream.indirect.gather [hbm4b:s5+s11], $0x40, s21, s11, $0xb8;
	[tilespmem:$0x18600] =	vst v63  }
0x37: {  	_ = 	snop  }
0x38: {  	[tilespmem:s24], [sflag:$0x3] =	stream.indirect.gather [hbm4b:s9+s11], $0x40, s23, s11, $0xb8;
	[tilespmem:$0x18600] =	vst v63  }
0x39: {  	_ = 	snop  }
0x3a: {  	[tilespmem:s26], [sflag:$0x1] =	stream.indirect.gather [hbm4b:s9+s11], $0x40, s25, s11, $0xb8;
	[tilespmem:$0x18600] =	vst v63  }
0x3b: {  	_ = 	snop  }
0x3c: {  	[tilespmem:s29], [sflag:$0x2] =	stream.indirect.gather [hbm4b:s5+s11], $0x40, s28, s11, $0xb8;
	[tilespmem:$0x18600] =	vst v63  }
0x3d: {  	_ = 	snop  }
0x3e: {  	[tilespmem:s31], [sflag:$0x3] =	stream.indirect.gather [hbm4b:s9+s11], $0x40, s30, s11, $0xb8;
	[tilespmem:$0x18600] =	vst v63  }
0x3f: {  	_ =	swait.ge [sflag:s14], $0x2000  }
0x40: {  	[sflag:s14] =	ssyncset.done $0x0  }
0x41: {  	[sflag:s14] =	ssyncadd.s32 $0xFFFFE000  }
0x42: {  	_ =	swait.ge [sflag:s14], $0x2000  }
0x43: {  	[sflag:s14] =	ssyncset.done $0x0  }
0x44: {  	[sflag:s14] =	ssyncadd.s32 $0xFFFFE000  }
0x45: {  	_ =	swait.ge [sflag:s14], $0x2000  }
0x46: {  	[sflag:s14] =	ssyncset.done $0x0  }
0x47: {  	[sflag:s14] =	ssyncadd.s32 $0xFFFFE000  }
0x48: {  	_ =	swait.ge [sflag:s14], $0x2000  }
0x49: {  	[sflag:s14] =	ssyncset.done $0x0  }
0x4a: {  	s0 =	rddreg [dreg:$0xb];
	[sflag:s14] =	ssyncadd.s32 $0xFFFFE000  }
0x4b: {  	[hbm4b:s0+s2] =	stream.linear.scatter [tilespmem:s8], [sflag:$0x4], $0x8000, $0x38;
	[tilespmem:$0x18600] =	vst v63  }
0x4c: {  	_ =	swait.ge [sflag:s3], $0x8000  }
0x4d: {  	[sflag:s3] =	ssyncset.done $0x0  }
0x4e: {  	[sflag:s3] =	ssyncadd.s32 $0xFFFF8000  }
0x4f: {  	_ =	swait.ge [sflag:s10], $0x2000  }
0x50: {  	[sflag:s10] =	ssyncset.done $0x0  }
0x51: {  	[sflag:s10] =	ssyncadd.s32 $0xFFFFE000  }
0x52: {  	_ =	swait.ge [sflag:s10], $0x2000  }
0x53: {  	[sflag:s10] =	ssyncset.done $0x0  }
0x54: {  	[sflag:s10] =	ssyncadd.s32 $0xFFFFE000  }
0x55: {  	_ =	swait.ge [sflag:s10], $0x2000  }
0x56: {  	[sflag:s10] =	ssyncset.done $0x0  }
0x57: {  	[sflag:s10] =	ssyncadd.s32 $0xFFFFE000  }
0x58: {  	_ =	swait.ge [sflag:s10], $0x2000  }
0x59: {  	[sflag:s10] =	ssyncset.done $0x0  }
0x5a: {  	s0 =	rddreg [dreg:$0xc];
	[sflag:s10] =	ssyncadd.s32 $0xFFFFE000  }
0x5b: {  	[hbm4b:s0+s2] =	stream.linear.scatter [tilespmem:s6], [sflag:$0x4], $0x8000, $0x38;
	[tilespmem:$0x18600] =	vst v63  }
0x5c: {  	_ =	swait.ge [sflag:s3], $0x8000  }
0x5d: {  	[sflag:s3] =	ssyncset.done $0x0  }
0x5e: {  	[sflag:s3] =	ssyncadd.s32 $0xFFFF8000  }
0x5f: {  	_ =	swait.ge [sflag:s7], $0x2000  }
0x60: {  	[sflag:s7] =	ssyncset.done $0x0  }
0x61: {  	[sflag:s7] =	ssyncadd.s32 $0xFFFFE000  }
0x62: {  	_ =	swait.ge [sflag:s7], $0x2000  }
0x63: {  	[sflag:s7] =	ssyncset.done $0x0  }
0x64: {  	[sflag:s7] =	ssyncadd.s32 $0xFFFFE000  }
0x65: {  	_ =	swait.ge [sflag:s7], $0x2000  }
0x66: {  	[sflag:s7] =	ssyncset.done $0x0  }
0x67: {  	[sflag:s7] =	ssyncadd.s32 $0xFFFFE000  }
0x68: {  	p1 =	sne.s32 s1, $0x1;
	_ =	swait.ge [sflag:s7], $0x2000  }
.Ltmp1:
0x69: {  	[sflag:s7] =	ssyncset.done $0x0;
	(pc) =	sbr.rel @!p1 .LBB2_3-.Ltmp1, $4  }
0x6a: {  	s0 =	rddreg [dreg:$0xd];
	[sflag:s7] =	ssyncadd.s32 $0xFFFFE000  }
0x6b: {  	[hbm4b:s0+s2] =	stream.linear.scatter [tilespmem:s4], [sflag:$0x4], $0x8000, $0x38;
	[tilespmem:$0x18600] =	vst v63  }
0x6c: {  	s1 =	sadd.s32 $0xFFFFFFFF, s1;
	_ =	swait.ge [sflag:s3], $0x8000  }
0x6d: {  	p0 =	por $0x1, $0x1;
	s0 =	rddreg [dreg:$0x8];
	[sflag:s3] =	ssyncset.done $0x0  }
.LBB2_2:
0x6e: {  	[sflag:s3] =	ssyncadd.s32 $0xFFFF8000  }
0x6f: {  	[tilespmem:s2], [sflag:$0x4] =	stream.linear.gather [hbm4b:s0+s2], $0x200, $0x38;
	[tilespmem:$0x18600] =	vst v63  }
0x70: {  	_ =	swait.ge [sflag:s3], $0x200  }
0x71: {  	[sflag:s3] =	ssyncset.done $0x0  }
0x72: {  	s0 =	rddreg [dreg:$0x9];
	[sflag:s3] =	ssyncadd.s32 $0xFFFFFE00  }
0x73: {  	[tilespmem:s13], [sflag:$0x4] =	stream.linear.gather [hbm4b:s0+s2], $0x200, $0x38;
	[tilespmem:$0x18600] =	vst v63  }
0x74: {  	_ =	swait.ge [sflag:s3], $0x200  }
0x75: {  	[sflag:s3] =	ssyncset.done $0x0  }
0x76: {  	s0 =	rddreg [dreg:$0xa];
	[sflag:s3] =	ssyncadd.s32 $0xFFFFFE00  }
0x77: {  	[tilespmem:s12], [sflag:$0x4] =	stream.linear.gather [hbm4b:s0+s2], $0x200, $0x38;
	[tilespmem:$0x18600] =	vst v63  }
0x78: {  	_ =	swait.ge [sflag:s3], $0x200  }
0x79: {  	[sflag:s3] =	ssyncset.done $0x0  }
0x7a: {  	[sflag:s3] =	ssyncadd.s32 $0xFFFFFE00  }
0x7b: {  	[tilespmem:s8], [sflag:$0x1] =	stream.indirect.gather [hbm4b:s9+s11], $0x40, s2, s11, $0xb8;
	[tilespmem:$0x18600] =	vst v63  }
0x7c: {  	_ = 	snop  }
0x7d: {  	[tilespmem:s6], [sflag:$0x2] =	stream.indirect.gather [hbm4b:s5+s11], $0x40, s13, s11, $0xb8;
	[tilespmem:$0x18600] =	vst v63  }
0x7e: {  	_ = 	snop  }
0x7f: {  	[tilespmem:s4], [sflag:$0x3] =	stream.indirect.gather [hbm4b:s9+s11], $0x40, s12, s11, $0xb8;
	[tilespmem:$0x18600] =	vst v63  }
0x80: {  	s0 =	rddreg [dreg:$0xe]  }
0x81: {  	[tilespmem:s0], [sflag:$0x1] =	stream.indirect.gather [hbm4b:s9+s11], $0x40, s11, s11, $0xb8;
	[tilespmem:$0x18600] =	vst v63  }
0x82: {  	_ = 	snop  }
0x83: {  	[tilespmem:s16], [sflag:$0x2] =	stream.indirect.gather [hbm4b:s5+s11], $0x40, s15, s11, $0xb8;
	[tilespmem:$0x18600] =	vst v63  }
0x84: {  	_ = 	snop  }
0x85: {  	[tilespmem:s18], [sflag:$0x3] =	stream.indirect.gather [hbm4b:s9+s11], $0x40, s17, s11, $0xb8;
	[tilespmem:$0x18600] =	vst v63  }
0x86: {  	_ = 	snop  }
0x87: {  	[tilespmem:s20], [sflag:$0x1] =	stream.indirect.gather [hbm4b:s9+s11], $0x40, s19, s11, $0xb8;
	[tilespmem:$0x18600] =	vst v63  }
0x88: {  	_ = 	snop  }
0x89: {  	[tilespmem:s22], [sflag:$0x2] =	stream.indirect.gather [hbm4b:s5+s11], $0x40, s21, s11, $0xb8;
	[tilespmem:$0x18600] =	vst v63  }
0x8a: {  	_ = 	snop  }
0x8b: {  	[tilespmem:s24], [sflag:$0x3] =	stream.indirect.gather [hbm4b:s9+s11], $0x40, s23, s11, $0xb8;
	[tilespmem:$0x18600] =	vst v63  }
0x8c: {  	_ = 	snop  }
0x8d: {  	[tilespmem:s26], [sflag:$0x1] =	stream.indirect.gather [hbm4b:s9+s11], $0x40, s25, s11, $0xb8;
	[tilespmem:$0x18600] =	vst v63  }
0x8e: {  	_ = 	snop  }
0x8f: {  	[tilespmem:s29], [sflag:$0x2] =	stream.indirect.gather [hbm4b:s5+s11], $0x40, s28, s11, $0xb8;
	[tilespmem:$0x18600] =	vst v63  }
0x90: {  	_ = 	snop  }
0x91: {  	[tilespmem:s31], [sflag:$0x3] =	stream.indirect.gather [hbm4b:s9+s11], $0x40, s30, s11, $0xb8;
	[tilespmem:$0x18600] =	vst v63  }
0x92: {  	_ =	swait.ge [sflag:s14], $0x2000  }
0x93: {  	[sflag:s14] =	ssyncset.done $0x0  }
0x94: {  	[sflag:s14] =	ssyncadd.s32 $0xFFFFE000  }
0x95: {  	_ =	swait.ge [sflag:s14], $0x2000  }
0x96: {  	[sflag:s14] =	ssyncset.done $0x0  }
0x97: {  	[sflag:s14] =	ssyncadd.s32 $0xFFFFE000  }
0x98: {  	_ =	swait.ge [sflag:s14], $0x2000  }
0x99: {  	[sflag:s14] =	ssyncset.done $0x0  }
0x9a: {  	[sflag:s14] =	ssyncadd.s32 $0xFFFFE000  }
0x9b: {  	_ =	swait.ge [sflag:s14], $0x2000  }
0x9c: {  	[sflag:s14] =	ssyncset.done $0x0  }
0x9d: {  	s0 =	rddreg [dreg:$0xb];
	[sflag:s14] =	ssyncadd.s32 $0xFFFFE000  }
0x9e: {  	[hbm4b:s0+s2] =	stream.linear.scatter [tilespmem:s8], [sflag:$0x4], $0x8000, $0x38;
	[tilespmem:$0x18600] =	vst v63  }
0x9f: {  	_ =	swait.ge [sflag:s3], $0x8000  }
0xa0: {  	[sflag:s3] =	ssyncset.done $0x0  }
0xa1: {  	[sflag:s3] =	ssyncadd.s32 $0xFFFF8000  }
0xa2: {  	_ =	swait.ge [sflag:s10], $0x2000  }
0xa3: {  	[sflag:s10] =	ssyncset.done $0x0  }
0xa4: {  	[sflag:s10] =	ssyncadd.s32 $0xFFFFE000  }
0xa5: {  	_ =	swait.ge [sflag:s10], $0x2000  }
0xa6: {  	[sflag:s10] =	ssyncset.done $0x0  }
0xa7: {  	[sflag:s10] =	ssyncadd.s32 $0xFFFFE000  }
0xa8: {  	_ =	swait.ge [sflag:s10], $0x2000  }
0xa9: {  	[sflag:s10] =	ssyncset.done $0x0  }
0xaa: {  	[sflag:s10] =	ssyncadd.s32 $0xFFFFE000  }
0xab: {  	_ =	swait.ge [sflag:s10], $0x2000  }
0xac: {  	[sflag:s10] =	ssyncset.done $0x0  }
0xad: {  	s0 =	rddreg [dreg:$0xc];
	[sflag:s10] =	ssyncadd.s32 $0xFFFFE000  }
0xae: {  	[hbm4b:s0+s2] =	stream.linear.scatter [tilespmem:s6], [sflag:$0x4], $0x8000, $0x38;
	[tilespmem:$0x18600] =	vst v63  }
0xaf: {  	_ =	swait.ge [sflag:s3], $0x8000  }
0xb0: {  	[sflag:s3] =	ssyncset.done $0x0  }
0xb1: {  	[sflag:s3] =	ssyncadd.s32 $0xFFFF8000  }
0xb2: {  	_ =	swait.ge [sflag:s7], $0x2000  }
0xb3: {  	[sflag:s7] =	ssyncset.done $0x0  }
0xb4: {  	[sflag:s7] =	ssyncadd.s32 $0xFFFFE000  }
0xb5: {  	_ =	swait.ge [sflag:s7], $0x2000  }
0xb6: {  	[sflag:s7] =	ssyncset.done $0x0  }
0xb7: {  	[sflag:s7] =	ssyncadd.s32 $0xFFFFE000  }
0xb8: {  	_ =	swait.ge [sflag:s7], $0x2000  }
0xb9: {  	[sflag:s7] =	ssyncset.done $0x0  }
0xba: {  	[sflag:s7] =	ssyncadd.s32 $0xFFFFE000  }
0xbb: {  	p1 =	sne.s32 s1, $0x1;
	_ =	swait.ge [sflag:s7], $0x2000  }
.Ltmp2:
0xbc: {  	[sflag:s7] =	ssyncset.done $0x0;
	(pc) =	sbr.rel @p1 .LBB2_2-.Ltmp2, $4  }
0xbd: {  	s0 =	rddreg [dreg:$0xd];
	[sflag:s7] =	ssyncadd.s32 $0xFFFFE000  }
0xbe: {  	[hbm4b:s0+s2] =	stream.linear.scatter [tilespmem:s4], [sflag:$0x4], $0x8000, $0x38;
	[tilespmem:$0x18600] =	vst v63  }
0xbf: {  	_ =	swait.ge [sflag:s3], $0x8000  }
0xc0: {  	s1 =	sadd.s32 $0xFFFFFFFF, s1;
	s0 =	rddreg [dreg:$0x8];
	[sflag:s3] =	ssyncset.done $0x0  }
.LBB2_3:
0xc1: {  	[sflag:s3] =	ssyncadd.s32 @p0 $0xFFFF8000  }
0xc2: {  	[tilespmem:s2], [sflag:$0x4] =	stream.linear.gather [hbm4b:s0+s2], $0x200, $0x38;
	[tilespmem:$0x18600] =	vst v63  }
0xc3: {  	_ =	swait.ge [sflag:s3], $0x200  }
0xc4: {  	[sflag:s3] =	ssyncset.done $0x0  }
0xc5: {  	s1 =	rddreg [dreg:$0x9];
	[sflag:s3] =	ssyncadd.s32 $0xFFFFFE00  }
0xc6: {  	[tilespmem:s13], [sflag:$0x4] =	stream.linear.gather [hbm4b:s1+s2], $0x200, $0x38;
	[tilespmem:$0x18600] =	vst v63  }
0xc7: {  	_ =	swait.ge [sflag:s3], $0x200  }
0xc8: {  	[sflag:s3] =	ssyncset.done $0x0  }
0xc9: {  	s1 =	rddreg [dreg:$0xa];
	[sflag:s3] =	ssyncadd.s32 $0xFFFFFE00  }
0xca: {  	[tilespmem:s12], [sflag:$0x4] =	stream.linear.gather [hbm4b:s1+s2], $0x200, $0x38;
	[tilespmem:$0x18600] =	vst v63  }
0xcb: {  	_ =	swait.ge [sflag:s3], $0x200  }
0xcc: {  	[sflag:s3] =	ssyncset.done $0x0  }
0xcd: {  	[sflag:s3] =	ssyncadd.s32 $0xFFFFFE00  }
0xce: {  	[tilespmem:s8], [sflag:$0x1] =	stream.indirect.gather [hbm4b:s9+s11], $0x40, s2, s11, $0xb8;
	[tilespmem:$0x18600] =	vst v63  }
0xcf: {  	_ = 	snop  }
0xd0: {  	[tilespmem:s6], [sflag:$0x2] =	stream.indirect.gather [hbm4b:s5+s11], $0x40, s13, s11, $0xb8;
	[tilespmem:$0x18600] =	vst v63  }
0xd1: {  	_ = 	snop  }
0xd2: {  	[tilespmem:s4], [sflag:$0x3] =	stream.indirect.gather [hbm4b:s9+s11], $0x40, s12, s11, $0xb8;
	[tilespmem:$0x18600] =	vst v63  }
0xd3: {  	s13 =	rddreg [dreg:$0xe]  }
0xd4: {  	[tilespmem:s13], [sflag:$0x1] =	stream.indirect.gather [hbm4b:s9+s11], $0x40, s11, s11, $0xb8;
	[tilespmem:$0x18600] =	vst v63  }
0xd5: {  	_ = 	snop  }
0xd6: {  	[tilespmem:s16], [sflag:$0x2] =	stream.indirect.gather [hbm4b:s5+s11], $0x40, s15, s11, $0xb8;
	[tilespmem:$0x18600] =	vst v63  }
0xd7: {  	_ = 	snop  }
0xd8: {  	[tilespmem:s18], [sflag:$0x3] =	stream.indirect.gather [hbm4b:s9+s11], $0x40, s17, s11, $0xb8;
	[tilespmem:$0x18600] =	vst v63  }
0xd9: {  	_ = 	snop  }
0xda: {  	[tilespmem:s20], [sflag:$0x1] =	stream.indirect.gather [hbm4b:s9+s11], $0x40, s19, s11, $0xb8;
	[tilespmem:$0x18600] =	vst v63  }
0xdb: {  	_ = 	snop  }
0xdc: {  	[tilespmem:s22], [sflag:$0x2] =	stream.indirect.gather [hbm4b:s5+s11], $0x40, s21, s11, $0xb8;
	[tilespmem:$0x18600] =	vst v63  }
0xdd: {  	_ = 	snop  }
0xde: {  	[tilespmem:s24], [sflag:$0x3] =	stream.indirect.gather [hbm4b:s9+s11], $0x40, s23, s11, $0xb8;
	[tilespmem:$0x18600] =	vst v63  }
0xdf: {  	_ = 	snop  }
0xe0: {  	[tilespmem:s26], [sflag:$0x1] =	stream.indirect.gather [hbm4b:s9+s11], $0x40, s25, s11, $0xb8;
	[tilespmem:$0x18600] =	vst v63  }
0xe1: {  	_ = 	snop  }
0xe2: {  	[tilespmem:s29], [sflag:$0x2] =	stream.indirect.gather [hbm4b:s5+s11], $0x40, s28, s11, $0xb8;
	[tilespmem:$0x18600] =	vst v63  }
0xe3: {  	_ = 	snop  }
0xe4: {  	[tilespmem:s31], [sflag:$0x3] =	stream.indirect.gather [hbm4b:s9+s11], $0x40, s30, s11, $0xb8;
	[tilespmem:$0x18600] =	vst v63  }
0xe5: {  	_ =	swait.ge [sflag:s14], $0x2000  }
0xe6: {  	[sflag:s14] =	ssyncset.done $0x0  }
0xe7: {  	[sflag:s14] =	ssyncadd.s32 $0xFFFFE000  }
0xe8: {  	_ =	swait.ge [sflag:s14], $0x2000  }
0xe9: {  	[sflag:s14] =	ssyncset.done $0x0  }
0xea: {  	[sflag:s14] =	ssyncadd.s32 $0xFFFFE000  }
0xeb: {  	_ =	swait.ge [sflag:s14], $0x2000  }
0xec: {  	[sflag:s14] =	ssyncset.done $0x0  }
0xed: {  	[sflag:s14] =	ssyncadd.s32 $0xFFFFE000  }
0xee: {  	_ =	swait.ge [sflag:s14], $0x2000  }
0xef: {  	[sflag:s14] =	ssyncset.done $0x0  }
0xf0: {  	s28 =	rddreg [dreg:$0xb];
	[sflag:s14] =	ssyncadd.s32 $0xFFFFE000  }
0xf1: {  	[hbm4b:s28+s2] =	stream.linear.scatter [tilespmem:s8], [sflag:$0x4], $0x8000, $0x38;
	[tilespmem:$0x18600] =	vst v63  }
0xf2: {  	_ =	swait.ge [sflag:s3], $0x8000  }
0xf3: {  	[sflag:s3] =	ssyncset.done $0x0  }
0xf4: {  	[sflag:s3] =	ssyncadd.s32 $0xFFFF8000  }
0xf5: {  	_ =	swait.ge [sflag:s10], $0x2000  }
0xf6: {  	[sflag:s10] =	ssyncset.done $0x0  }
0xf7: {  	[sflag:s10] =	ssyncadd.s32 $0xFFFFE000  }
0xf8: {  	_ =	swait.ge [sflag:s10], $0x2000  }
0xf9: {  	[sflag:s10] =	ssyncset.done $0x0  }
0xfa: {  	[sflag:s10] =	ssyncadd.s32 $0xFFFFE000  }
0xfb: {  	_ =	swait.ge [sflag:s10], $0x2000  }
0xfc: {  	[sflag:s10] =	ssyncset.done $0x0  }
0xfd: {  	[sflag:s10] =	ssyncadd.s32 $0xFFFFE000  }
0xfe: {  	_ =	swait.ge [sflag:s10], $0x2000  }
0xff: {  	[sflag:s10] =	ssyncset.done $0x0  }
0x100: {  	s29 =	rddreg [dreg:$0xc];
	[sflag:s10] =	ssyncadd.s32 $0xFFFFE000  }
0x101: {  	[hbm4b:s29+s2] =	stream.linear.scatter [tilespmem:s6], [sflag:$0x4], $0x8000, $0x38;
	[tilespmem:$0x18600] =	vst v63  }
0x102: {  	_ =	swait.ge [sflag:s3], $0x8000  }
0x103: {  	[sflag:s3] =	ssyncset.done $0x0  }
0x104: {  	[sflag:s3] =	ssyncadd.s32 $0xFFFF8000  }
0x105: {  	_ =	swait.ge [sflag:s7], $0x2000  }
0x106: {  	[sflag:s7] =	ssyncset.done $0x0  }
0x107: {  	[sflag:s7] =	ssyncadd.s32 $0xFFFFE000  }
0x108: {  	_ =	swait.ge [sflag:s7], $0x2000  }
0x109: {  	[sflag:s7] =	ssyncset.done $0x0  }
0x10a: {  	[sflag:s7] =	ssyncadd.s32 $0xFFFFE000  }
0x10b: {  	_ =	swait.ge [sflag:s7], $0x2000  }
0x10c: {  	[sflag:s7] =	ssyncset.done $0x0  }
0x10d: {  	[sflag:s7] =	ssyncadd.s32 $0xFFFFE000  }
0x10e: {  	_ =	swait.ge [sflag:s7], $0x2000  }
0x10f: {  	[sflag:s7] =	ssyncset.done $0x0  }
0x110: {  	s30 =	rddreg [dreg:$0xd];
	[sflag:s7] =	ssyncadd.s32 $0xFFFFE000  }
0x111: {  	[hbm4b:s30+s2] =	stream.linear.scatter [tilespmem:s4], [sflag:$0x4], $0x8000, $0x38;
	[tilespmem:$0x18600] =	vst v63  }
0x112: {  	_ =	swait.ge [sflag:s3], $0x8000  }
0x113: {  	[sflag:s3] =	ssyncset.done $0x0  }
0x114: {  	[sflag:s3] =	ssyncadd.s32 $0xFFFF8000  }
0x115: {  	_ =	sfence.sel $0x180000  }
0x116: {  	[bflag:$0x0] =	sbarrier.arrive $0xFFFF  }
0x117: {  	_ =	strace $0x90000047  }
0x118: {  	s31 =	stileid.u32;
	[bflag:$0x2] =	sbarrier.arrive $0xFFFF  }
0x119: {  	p0 =	sne.s32 s31, $0x0;
	s0 =	rddreg [dreg:$0x7]  }
0x11a: {  	s0 =	sadd.s32 @!p0 $0x100000, s0  }
0x11b: {  	[sflag:s0] =	ssyncadd.tile.s32 @!p0 $0x1;
	_ =	shalt  }
.Lfunc_end2:
_tile_overlayer_lowered:
.L_overlay_start_2:
0x11c: {  	(tag) =	ssettag $0x2  }
0x11d: {  	s0 =	rddreg [dreg:$0x0];
	s2 =	stileid.u32  }
0x11e: {  	s1 =	rddreg [dreg:$0x1];
	p0 =	sne.s32 s2, $0x0  }
0x11f: {  	s3 =	rddreg [dreg:$0x2];
	[bflag:$0x3] =	sbarrier.arrive $0xFFFF;
	s2 =	simm.s32 @!p0 $0x1C04  }
0x120: {  	[timem:s3], [sflag:s2] =	dma.local @!p0 [hbm:s0], s1  }
0x121: {  	s0 =	simm.s32 @!p0 $0x4  }
0x122: {  	_ =	swait.ge @!p0 [sflag:s0], s1  }
0x123: {  	s1 =	ssub.s32 @!p0 $0x0, s1;
	[sflag:s0] =	ssyncset.done @!p0 $0x0  }
0x124: {  	[sflag:s0] =	ssyncadd.s32 @!p0 s1  }
0x125: {  	[bflag:$0x3] =	sbarrier.arrive $0xFFFF  }
0x126: {  	_ =	shalt  }

</sc_bundles>
